<compile_context>
chip_gen: v7x
topology: tpu7x:2x2x1
jax: 0.10.2.dev20260603
libtpu: 0.0.44.dev20260713+nightly
codegen_flags: <defaults>
</compile_context>

<pallas_src>
import functools

import jax
import jax.numpy as jnp
from jax import lax
from jax.experimental import pallas as pl
from jax.experimental.pallas import tpu as pltpu
from jax.experimental.pallas import tpu_sc as plsc

_VOCAB = 30522
_HIDDEN = 768
_EPS = 1e-12

_NC, _NS = 2, 16
_NW = _NC * _NS
_SEQ = 128
_BATCH = 1024
_TOK = _BATCH * _SEQ
_TPW = _TOK // _NW
_SPW = _TPW // _SEQ
_G = 16
_KPS = _SEQ // _G
_NBUF = 4

_NCH = 1
_TPC = _TOK // _NCH

_BT = 2048


_mesh = plsc.VectorSubcoreMesh(core_axis_name="c", subcore_axis_name="s")


@functools.partial(
    pl.kernel,
    mesh=_mesh,
    compiler_params=pltpu.CompilerParams(needs_layout_passes=False),
    out_type=jax.ShapeDtypeStruct((_TOK // _NCH, _HIDDEN), jnp.float32),
    scratch_types=(
        [pltpu.VMEM((_SPW // _NCH, _KPS, _G), jnp.int32)]
        + [pltpu.VMEM((_G, _HIDDEN), jnp.float32) for _ in range(_NBUF)]
        + [pltpu.SemaphoreType.DMA for _ in range(2 * _NBUF)]
    ),
)
def _gather_kernel(word_hbm, idx_hbm, out_hbm, idx_l, *bufs_sems):
    nseq = _SPW // _NCH
    bufs = bufs_sems[:_NBUF]
    gsem = bufs_sems[_NBUF:2 * _NBUF]
    ssem = bufs_sems[2 * _NBUF:]
    wid = lax.axis_index("s") * _NC + lax.axis_index("c")

    pltpu.sync_copy(idx_hbm.at[wid], idx_l)

    for k in range(2):
        pltpu.async_copy(
            word_hbm.at[idx_l.at[0, k]], bufs[k], gsem[k])

    def seq_body(s, carry):
        for k in range(_KPS):
            k2 = (k + 2) % _NBUF
            pltpu.make_async_copy(
                word_hbm.at[pl.ds(0, _G)], bufs[k % _NBUF],
                gsem[k % _NBUF]).wait()
            obase = wid * (_TPW // _NCH) + s * _SEQ + k * _G
            pltpu.async_copy(
                bufs[k % _NBUF], out_hbm.at[pl.ds(obase, _G)],
                ssem[k % _NBUF])
            k2s = (k + 2) % _KPS
            if k < 2:
                @pl.when(s >= 1)
                def _():
                    pltpu.make_async_copy(
                        bufs[k2], out_hbm.at[pl.ds(0, _G)],
                        ssem[k2]).wait()
            else:
                pltpu.make_async_copy(
                    bufs[k2], out_hbm.at[pl.ds(0, _G)], ssem[k2]).wait()
            if k < _KPS - 2:
                pltpu.async_copy(
                    word_hbm.at[idx_l.at[s, k2s]], bufs[k2], gsem[k2])
            else:
                @pl.when(s < nseq - 1)
                def _():
                    pltpu.async_copy(
                        word_hbm.at[idx_l.at[s + 1, k2s]], bufs[k2],
                        gsem[k2])
        return carry

    lax.fori_loop(0, nseq, seq_body, 0)

    for k in (2, 3):
        pltpu.make_async_copy(
            bufs[k], out_hbm.at[pl.ds(0, _G)], ssem[k]).wait()


def _ln_body(x_ref, b_ref, g_ref, be_ref, o_ref):
    x = x_ref[...].reshape(_BT // _SEQ, _SEQ, _HIDDEN) + b_ref[...][None]
    x = x.reshape(_BT, _HIDDEN)
    m = jnp.mean(x, axis=1, keepdims=True)
    xc = x - m
    var = jnp.mean(xc * xc, axis=1, keepdims=True)
    y = xc * lax.rsqrt(var + _EPS)
    o_ref[...] = y * g_ref[...] + be_ref[...]


_ln_call = pl.pallas_call(
    _ln_body,
    grid=(_TPC // _BT,),
    in_specs=[
        pl.BlockSpec((_BT, _HIDDEN), lambda i: (i, 0)),
        pl.BlockSpec((_SEQ, _HIDDEN), lambda i: (0, 0)),
        pl.BlockSpec((1, _HIDDEN), lambda i: (0, 0)),
        pl.BlockSpec((1, _HIDDEN), lambda i: (0, 0)),
    ],
    out_specs=pl.BlockSpec((_BT, _HIDDEN), lambda i: (i, 0)),
    out_shape=jax.ShapeDtypeStruct((_TPC, _HIDDEN), jnp.float32),
)


def kernel(input_tokens, word_table, pos_table, type_table, ln_gamma, ln_beta):
    idx = input_tokens.astype(jnp.int32).reshape(
        _NCH, _NW, _SPW // _NCH, _KPS, _G)
    bias = pos_table[:_SEQ] + type_table[0][None, :]
    gam = ln_gamma.reshape(1, _HIDDEN)
    bet = ln_beta.reshape(1, _HIDDEN)
    gs = [_gather_kernel(word_table, idx[c]) for c in range(_NCH)]
    outs = [_ln_call(g, bias, gam, bet) for g in gs]
    out = jnp.concatenate(outs, axis=0)
    return out.reshape(_BATCH, _SEQ, _HIDDEN)

# --- scband reference (transcript-rebuilt; emitter-appended) ---
"""Pipeline reference for scband-embedding-86844238725541 (READ-ONLY COPY).

The authoritative reference and input builder live on the scoring server;
editing this copy changes nothing except your own understanding.
"""

import jax, jax.numpy as jnp
import numpy as np

VOCAB = 30522
HIDDEN = 768
MAX_POS = 512
TYPE_VOCAB = 2
LN_EPS = 1e-12


def setup_inputs(seed: int = 0) -> dict:
    key = jax.random.key(seed)
    k1, k2, k3, k4 = jax.random.split(key, 4)
    input_tokens = jax.random.randint(k1, (1024, 128), 0, VOCAB, dtype=jnp.int32).astype(jnp.int64)
    word_table = (jax.random.normal(k2, (VOCAB, HIDDEN), dtype=jnp.float32) * 0.02)
    pos_table = (jax.random.normal(k3, (MAX_POS, HIDDEN), dtype=jnp.float32) * 0.02)
    type_table = (jax.random.normal(k4, (TYPE_VOCAB, HIDDEN), dtype=jnp.float32) * 0.02)
    ln_gamma = jnp.ones((HIDDEN,), dtype=jnp.float32)
    ln_beta = jnp.zeros((HIDDEN,), dtype=jnp.float32)
    return {
        "input_tokens": input_tokens,
        "word_table": word_table,
        "pos_table": pos_table,
        "type_table": type_table,
        "ln_gamma": ln_gamma,
        "ln_beta": ln_beta,
    }


def reference(input_tokens, word_table, pos_table, type_table, ln_gamma, ln_beta):
    # Faithful BertEmbeddings forward (eval mode, dropout is identity):
    #   word_embeddings(input_ids) + position_embeddings(arange(seq)) + token_type_embeddings(zeros)
    #   followed by LayerNorm(eps=1e-12).
    bsz, seq_len = input_tokens.shape
    word = jnp.take(word_table, input_tokens, axis=0)
    position_ids = jnp.arange(seq_len, dtype=jnp.int32)
    pos = jnp.take(pos_table, position_ids, axis=0)[None, :, :]
    token_type_ids = jnp.zeros((bsz, seq_len), dtype=jnp.int32)
    typ = jnp.take(type_table, token_type_ids, axis=0)
    emb = word + pos + typ
    mean = jnp.mean(emb, axis=-1, keepdims=True)
    var = jnp.mean(jnp.square(emb - mean), axis=-1, keepdims=True)
    normed = (emb - mean) / jnp.sqrt(var + LN_EPS)
    out = normed * ln_gamma + ln_beta
    return out

if __name__ == "__main__":
    import jax
    _d = setup_inputs()
    print(jax.jit(kernel)(*tuple(_d.values())))

</pallas_src>

<mosaic_0001>
#map = affine_map<(d0, d1) -> (0, 0)>
#map1 = affine_map<(d0, d1) -> (0, 0, 0, 0)>
module attributes {stable_mosaic.version = 14 : i64} {
  func.func @_gather_kernel(%arg0: i32, %arg1: i32, %arg2: memref<30522x768xf32, #tpu.memory_space<hbm>>, %arg3: memref<32x32x8x16xi32, #tpu.memory_space<hbm>>, %arg4: memref<131072x768xf32, #tpu.memory_space<hbm>>, %arg5: memref<32x8x16xi32, #tpu.memory_space<vmem>>, %arg6: memref<16x768xf32, #tpu.memory_space<vmem>>, %arg7: memref<16x768xf32, #tpu.memory_space<vmem>>, %arg8: memref<16x768xf32, #tpu.memory_space<vmem>>, %arg9: memref<16x768xf32, #tpu.memory_space<vmem>>, %arg10: memref<!tpu.dma_semaphore, #tpu.memory_space<semaphore_mem>>, %arg11: memref<!tpu.dma_semaphore, #tpu.memory_space<semaphore_mem>>, %arg12: memref<!tpu.dma_semaphore, #tpu.memory_space<semaphore_mem>>, %arg13: memref<!tpu.dma_semaphore, #tpu.memory_space<semaphore_mem>>, %arg14: memref<!tpu.dma_semaphore, #tpu.memory_space<semaphore_mem>>, %arg15: memref<!tpu.dma_semaphore, #tpu.memory_space<semaphore_mem>>, %arg16: memref<!tpu.dma_semaphore, #tpu.memory_space<semaphore_mem>>, %arg17: memref<!tpu.dma_semaphore, #tpu.memory_space<semaphore_mem>>) attributes {dimension_semantics = [#tpu.dimension_semantics<core_parallel>, #tpu.dimension_semantics<subcore_parallel>], iteration_bounds = array<i64: 2, 16>, scalar_prefetch = 0 : i64, scratch_operands = 13 : i64, tpu.core_type = #tpu.core_type<sc_vector_subcore>, window_params = [{transform_indices = #map}, {transform_indices = #map1}, {transform_indices = #map}]} {
    %mul3A = arith.constant 2 : i32
    %mul3A_0 = arith.muli %arg1, %mul3A : i32
    %add3A = arith.addi %mul3A_0, %arg0 : i32
    "tpu.region"() ({
      %run_scoped3A = tpu.sem_alloc : memref<!tpu.dma_semaphore, #tpu.memory_space<semaphore_mem>>
      %dma_start3A_32 = arith.constant 0 : i32
      %dma_start3A_33 = arith.constant 0 : i32
      %dma_start3A_34 = arith.constant 0 : i32
      %dma_start3A_35 = tpu.memref_slice %arg3[%add3A, %dma_start3A_32, %dma_start3A_33, %dma_start3A_34] : memref<32x32x8x16xi32, #tpu.memory_space<hbm>> -> memref<1x32x8x16xi32, #tpu.memory_space<hbm>>
      %dma_start3A_36 = tpu.memref_squeeze %dma_start3A_35 : memref<1x32x8x16xi32, #tpu.memory_space<hbm>> -> memref<32x8x16xi32, #tpu.memory_space<hbm>>
      %dma_start3A_37 = arith.constant 0 : i32
      %dma_start3A_38 = arith.constant 0 : i32
      %dma_start3A_39 = arith.constant 0 : i32
      %dma_start3A_40 = tpu.memref_slice %arg3[%add3A, %dma_start3A_37, %dma_start3A_38, %dma_start3A_39] : memref<32x32x8x16xi32, #tpu.memory_space<hbm>> -> memref<1x32x8x16xi32, #tpu.memory_space<hbm>>
      %dma_start3A_41 = tpu.memref_squeeze %dma_start3A_40 : memref<1x32x8x16xi32, #tpu.memory_space<hbm>> -> memref<32x8x16xi32, #tpu.memory_space<hbm>>
      tpu.enqueue_dma source(%dma_start3A_41 : memref<32x8x16xi32, #tpu.memory_space<hbm>>) target(%arg5 : memref<32x8x16xi32, #tpu.memory_space<vmem>>) target_semaphore(%run_scoped3A : memref<!tpu.dma_semaphore, #tpu.memory_space<semaphore_mem>>)
      %dma_wait3A_42 = arith.constant 0 : i32
      %dma_wait3A_43 = arith.constant 0 : i32
      %dma_wait3A_44 = arith.constant 0 : i32
      %dma_wait3A_45 = tpu.memref_slice %arg3[%add3A, %dma_wait3A_42, %dma_wait3A_43, %dma_wait3A_44] : memref<32x32x8x16xi32, #tpu.memory_space<hbm>> -> memref<1x32x8x16xi32, #tpu.memory_space<hbm>>
      %dma_wait3A_46 = tpu.memref_squeeze %dma_wait3A_45 : memref<1x32x8x16xi32, #tpu.memory_space<hbm>> -> memref<32x8x16xi32, #tpu.memory_space<hbm>>
      %dma_wait3A_47 = arith.constant 0 : i32
      %dma_wait3A_48 = arith.constant 0 : i32
      %dma_wait3A_49 = arith.constant 0 : i32
      %dma_wait3A_50 = tpu.memref_slice %arg3[%add3A, %dma_wait3A_47, %dma_wait3A_48, %dma_wait3A_49] : memref<32x32x8x16xi32, #tpu.memory_space<hbm>> -> memref<1x32x8x16xi32, #tpu.memory_space<hbm>>
      %dma_wait3A_51 = tpu.memref_squeeze %dma_wait3A_50 : memref<1x32x8x16xi32, #tpu.memory_space<hbm>> -> memref<32x8x16xi32, #tpu.memory_space<hbm>>
      tpu.wait_dma2 semaphore(%run_scoped3A : memref<!tpu.dma_semaphore, #tpu.memory_space<semaphore_mem>>) src(%dma_wait3A_51 : memref<32x8x16xi32, #tpu.memory_space<hbm>>) dst(%arg5 : memref<32x8x16xi32, #tpu.memory_space<vmem>>)
      tpu.yield
    }) : () -> ()
    %dma_start3A = arith.constant 0 : i32
    %dma_start3A_1 = arith.constant 0 : i32
    %dma_start3A_2 = arith.constant 0 : i32
    %dma_start3A_3 = tpu.memref_slice %arg5[%dma_start3A, %dma_start3A_1, %dma_start3A_2] : memref<32x8x16xi32, #tpu.memory_space<vmem>> -> memref<1x1x16xi32, #tpu.memory_space<vmem>>
    %dma_start3A_4 = tpu.memref_squeeze %dma_start3A_3 : memref<1x1x16xi32, #tpu.memory_space<vmem>> -> memref<16xi32, #tpu.memory_space<vmem>>
    %dma_start3A_5 = arith.constant 0 : i32
    %dma_start3A_6 = arith.constant 0 : i32
    %dma_start3A_7 = tpu.memref_slice %arg2[%dma_start3A_5, %dma_start3A_6] : memref<30522x768xf32, #tpu.memory_space<hbm>> -> memref<30522x768xf32, #tpu.memory_space<hbm>>
    tpu.enqueue_indirect_dma source(%dma_start3A_7 : memref<30522x768xf32, #tpu.memory_space<hbm>>) target(%arg6 : memref<16x768xf32, #tpu.memory_space<vmem>>) offsets(%dma_start3A_4 : memref<16xi32, #tpu.memory_space<vmem>>) semaphore(%arg10 : memref<!tpu.dma_semaphore, #tpu.memory_space<semaphore_mem>>)
    %dma_start3A_8 = arith.constant 0 : i32
    %dma_start3A_9 = arith.constant 1 : i32
    %dma_start3A_10 = arith.constant 0 : i32
    %dma_start3A_11 = tpu.memref_slice %arg5[%dma_start3A_8, %dma_start3A_9, %dma_start3A_10] : memref<32x8x16xi32, #tpu.memory_space<vmem>> -> memref<1x1x16xi32, #tpu.memory_space<vmem>>
    %dma_start3A_12 = tpu.memref_squeeze %dma_start3A_11 : memref<1x1x16xi32, #tpu.memory_space<vmem>> -> memref<16xi32, #tpu.memory_space<vmem>>
    %dma_start3A_13 = arith.constant 0 : i32
    %dma_start3A_14 = arith.constant 0 : i32
    %dma_start3A_15 = tpu.memref_slice %arg2[%dma_start3A_13, %dma_start3A_14] : memref<30522x768xf32, #tpu.memory_space<hbm>> -> memref<30522x768xf32, #tpu.memory_space<hbm>>
    tpu.enqueue_indirect_dma source(%dma_start3A_15 : memref<30522x768xf32, #tpu.memory_space<hbm>>) target(%arg7 : memref<16x768xf32, #tpu.memory_space<vmem>>) offsets(%dma_start3A_12 : memref<16xi32, #tpu.memory_space<vmem>>) semaphore(%arg11 : memref<!tpu.dma_semaphore, #tpu.memory_space<semaphore_mem>>)
    %scan3A = arith.constant 0 : i32
    %scan3A_16 = arith.constant 0 : i32
    %scan3A_17 = arith.constant 32 : i32
    %scan3A_18 = arith.addi %scan3A_16, %scan3A_17 : i32
    %scan3A_19 = arith.constant 1 : i32
    scf.for %scan3A_32 = %scan3A_16 to %scan3A_18 step %scan3A_19  : i32 {
      %dma_wait3A_33 = arith.constant 0 : i32
      %dma_wait3A_34 = arith.constant 0 : i32
      %dma_wait3A_35 = tpu.memref_slice %arg2[%dma_wait3A_33, %dma_wait3A_34] : memref<30522x768xf32, #tpu.memory_space<hbm>> -> memref<16x768xf32, #tpu.memory_space<hbm>>
      %dma_wait3A_36 = arith.constant 0 : i32
      %dma_wait3A_37 = arith.constant 0 : i32
      %dma_wait3A_38 = tpu.memref_slice %arg2[%dma_wait3A_36, %dma_wait3A_37] : memref<30522x768xf32, #tpu.memory_space<hbm>> -> memref<16x768xf32, #tpu.memory_space<hbm>>
      tpu.wait_dma2 semaphore(%arg10 : memref<!tpu.dma_semaphore, #tpu.memory_space<semaphore_mem>>) src(%dma_wait3A_38 : memref<16x768xf32, #tpu.memory_space<hbm>>) dst(%arg6 : memref<16x768xf32, #tpu.memory_space<vmem>>)
      %mul3A_39 = arith.constant 4096 : i32
      %mul3A_40 = arith.muli %add3A, %mul3A_39 : i32
      %mul3A_41 = arith.constant 128 : i32
      %mul3A_42 = arith.muli %scan3A_32, %mul3A_41 : i32
      %add3A_43 = arith.addi %mul3A_40, %mul3A_42 : i32
      %add3A_44 = arith.constant 0 : i32
      %add3A_45 = arith.addi %add3A_43, %add3A_44 : i32
      %dma_start3A_46 = arith.constant 0 : i32
      %dma_start3A_47 = tpu.memref_slice %arg4[%add3A_45, %dma_start3A_46] : memref<131072x768xf32, #tpu.memory_space<hbm>> -> memref<16x768xf32, #tpu.memory_space<hbm>>
      %dma_start3A_48 = arith.constant 0 : i32
      %dma_start3A_49 = tpu.memref_slice %arg4[%add3A_45, %dma_start3A_48] : memref<131072x768xf32, #tpu.memory_space<hbm>> -> memref<16x768xf32, #tpu.memory_space<hbm>>
      tpu.enqueue_dma source(%arg6 : memref<16x768xf32, #tpu.memory_space<vmem>>) target(%dma_start3A_49 : memref<16x768xf32, #tpu.memory_space<hbm>>) target_semaphore(%arg14 : memref<!tpu.dma_semaphore, #tpu.memory_space<semaphore_mem>>)
      %ge3A = arith.constant 1 : i32
      %ge3A_50 = arith.cmpi sge, %scan3A_32, %ge3A : i32
      %convert_element_type3A = arith.extui %ge3A_50 : i1 to i32
      %cond3A = arith.constant 0 : i32
      %cond3A_51 = arith.cmpi ne, %convert_element_type3A, %cond3A : i32
      scf.if %cond3A_51 {
        %dma_wait3A_263 = arith.constant 0 : i32
        %dma_wait3A_264 = arith.constant 0 : i32
        %dma_wait3A_265 = tpu.memref_slice %arg4[%dma_wait3A_263, %dma_wait3A_264] : memref<131072x768xf32, #tpu.memory_space<hbm>> -> memref<16x768xf32, #tpu.memory_space<hbm>>
        %dma_wait3A_266 = arith.constant 0 : i32
        %dma_wait3A_267 = arith.constant 0 : i32
        %dma_wait3A_268 = tpu.memref_slice %arg4[%dma_wait3A_266, %dma_wait3A_267] : memref<131072x768xf32, #tpu.memory_space<hbm>> -> memref<16x768xf32, #tpu.memory_space<hbm>>
        tpu.wait_dma2 semaphore(%arg16 : memref<!tpu.dma_semaphore, #tpu.memory_space<semaphore_mem>>) src(%arg8 : memref<16x768xf32, #tpu.memory_space<vmem>>) dst(%dma_wait3A_268 : memref<16x768xf32, #tpu.memory_space<hbm>>)
      } else {
      }
      %dma_start3A_52 = arith.constant 2 : i32
      %dma_start3A_53 = arith.constant 0 : i32
      %dma_start3A_54 = tpu.memref_slice %arg5[%scan3A_32, %dma_start3A_52, %dma_start3A_53] : memref<32x8x16xi32, #tpu.memory_space<vmem>> -> memref<1x1x16xi32, #tpu.memory_space<vmem>>
      %dma_start3A_55 = tpu.memref_squeeze %dma_start3A_54 : memref<1x1x16xi32, #tpu.memory_space<vmem>> -> memref<16xi32, #tpu.memory_space<vmem>>
      %dma_start3A_56 = arith.constant 0 : i32
      %dma_start3A_57 = arith.constant 0 : i32
      %dma_start3A_58 = tpu.memref_slice %arg2[%dma_start3A_56, %dma_start3A_57] : memref<30522x768xf32, #tpu.memory_space<hbm>> -> memref<30522x768xf32, #tpu.memory_space<hbm>>
      tpu.enqueue_indirect_dma source(%dma_start3A_58 : memref<30522x768xf32, #tpu.memory_space<hbm>>) target(%arg8 : memref<16x768xf32, #tpu.memory_space<vmem>>) offsets(%dma_start3A_55 : memref<16xi32, #tpu.memory_space<vmem>>) semaphore(%arg12 : memref<!tpu.dma_semaphore, #tpu.memory_space<semaphore_mem>>)
      %dma_wait3A_59 = arith.constant 0 : i32
      %dma_wait3A_60 = arith.constant 0 : i32
      %dma_wait3A_61 = tpu.memref_slice %arg2[%dma_wait3A_59, %dma_wait3A_60] : memref<30522x768xf32, #tpu.memory_space<hbm>> -> memref<16x768xf32, #tpu.memory_space<hbm>>
      %dma_wait3A_62 = arith.constant 0 : i32
      %dma_wait3A_63 = arith.constant 0 : i32
      %dma_wait3A_64 = tpu.memref_slice %arg2[%dma_wait3A_62, %dma_wait3A_63] : memref<30522x768xf32, #tpu.memory_space<hbm>> -> memref<16x768xf32, #tpu.memory_space<hbm>>
      tpu.wait_dma2 semaphore(%arg11 : memref<!tpu.dma_semaphore, #tpu.memory_space<semaphore_mem>>) src(%dma_wait3A_64 : memref<16x768xf32, #tpu.memory_space<hbm>>) dst(%arg7 : memref<16x768xf32, #tpu.memory_space<vmem>>)
      %mul3A_65 = arith.constant 4096 : i32
      %mul3A_66 = arith.muli %add3A, %mul3A_65 : i32
      %mul3A_67 = arith.constant 128 : i32
      %mul3A_68 = arith.muli %scan3A_32, %mul3A_67 : i32
      %add3A_69 = arith.addi %mul3A_66, %mul3A_68 : i32
      %add3A_70 = arith.constant 16 : i32
      %add3A_71 = arith.addi %add3A_69, %add3A_70 : i32
      %dma_start3A_72 = arith.constant 0 : i32
      %dma_start3A_73 = tpu.memref_slice %arg4[%add3A_71, %dma_start3A_72] : memref<131072x768xf32, #tpu.memory_space<hbm>> -> memref<16x768xf32, #tpu.memory_space<hbm>>
      %dma_start3A_74 = arith.constant 0 : i32
      %dma_start3A_75 = tpu.memref_slice %arg4[%add3A_71, %dma_start3A_74] : memref<131072x768xf32, #tpu.memory_space<hbm>> -> memref<16x768xf32, #tpu.memory_space<hbm>>
      tpu.enqueue_dma source(%arg7 : memref<16x768xf32, #tpu.memory_space<vmem>>) target(%dma_start3A_75 : memref<16x768xf32, #tpu.memory_space<hbm>>) target_semaphore(%arg15 : memref<!tpu.dma_semaphore, #tpu.memory_space<semaphore_mem>>)
      %ge3A_76 = arith.constant 1 : i32
      %ge3A_77 = arith.cmpi sge, %scan3A_32, %ge3A_76 : i32
      %convert_element_type3A_78 = arith.extui %ge3A_77 : i1 to i32
      %cond3A_79 = arith.constant 0 : i32
      %cond3A_80 = arith.cmpi ne, %convert_element_type3A_78, %cond3A_79 : i32
      scf.if %cond3A_80 {
        %dma_wait3A_263 = arith.constant 0 : i32
        %dma_wait3A_264 = arith.constant 0 : i32
        %dma_wait3A_265 = tpu.memref_slice %arg4[%dma_wait3A_263, %dma_wait3A_264] : memref<131072x768xf32, #tpu.memory_space<hbm>> -> memref<16x768xf32, #tpu.memory_space<hbm>>
        %dma_wait3A_266 = arith.constant 0 : i32
        %dma_wait3A_267 = arith.constant 0 : i32
        %dma_wait3A_268 = tpu.memref_slice %arg4[%dma_wait3A_266, %dma_wait3A_267] : memref<131072x768xf32, #tpu.memory_space<hbm>> -> memref<16x768xf32, #tpu.memory_space<hbm>>
        tpu.wait_dma2 semaphore(%arg17 : memref<!tpu.dma_semaphore, #tpu.memory_space<semaphore_mem>>) src(%arg9 : memref<16x768xf32, #tpu.memory_space<vmem>>) dst(%dma_wait3A_268 : memref<16x768xf32, #tpu.memory_space<hbm>>)
      } else {
      }
      %dma_start3A_81 = arith.constant 3 : i32
      %dma_start3A_82 = arith.constant 0 : i32
      %dma_start3A_83 = tpu.memref_slice %arg5[%scan3A_32, %dma_start3A_81, %dma_start3A_82] : memref<32x8x16xi32, #tpu.memory_space<vmem>> -> memref<1x1x16xi32, #tpu.memory_space<vmem>>
      %dma_start3A_84 = tpu.memref_squeeze %dma_start3A_83 : memref<1x1x16xi32, #tpu.memory_space<vmem>> -> memref<16xi32, #tpu.memory_space<vmem>>
      %dma_start3A_85 = arith.constant 0 : i32
      %dma_start3A_86 = arith.constant 0 : i32
      %dma_start3A_87 = tpu.memref_slice %arg2[%dma_start3A_85, %dma_start3A_86] : memref<30522x768xf32, #tpu.memory_space<hbm>> -> memref<30522x768xf32, #tpu.memory_space<hbm>>
      tpu.enqueue_indirect_dma source(%dma_start3A_87 : memref<30522x768xf32, #tpu.memory_space<hbm>>) target(%arg9 : memref<16x768xf32, #tpu.memory_space<vmem>>) offsets(%dma_start3A_84 : memref<16xi32, #tpu.memory_space<vmem>>) semaphore(%arg13 : memref<!tpu.dma_semaphore, #tpu.memory_space<semaphore_mem>>)
      %dma_wait3A_88 = arith.constant 0 : i32
      %dma_wait3A_89 = arith.constant 0 : i32
      %dma_wait3A_90 = tpu.memref_slice %arg2[%dma_wait3A_88, %dma_wait3A_89] : memref<30522x768xf32, #tpu.memory_space<hbm>> -> memref<16x768xf32, #tpu.memory_space<hbm>>
      %dma_wait3A_91 = arith.constant 0 : i32
      %dma_wait3A_92 = arith.constant 0 : i32
      %dma_wait3A_93 = tpu.memref_slice %arg2[%dma_wait3A_91, %dma_wait3A_92] : memref<30522x768xf32, #tpu.memory_space<hbm>> -> memref<16x768xf32, #tpu.memory_space<hbm>>
      tpu.wait_dma2 semaphore(%arg12 : memref<!tpu.dma_semaphore, #tpu.memory_space<semaphore_mem>>) src(%dma_wait3A_93 : memref<16x768xf32, #tpu.memory_space<hbm>>) dst(%arg8 : memref<16x768xf32, #tpu.memory_space<vmem>>)
      %mul3A_94 = arith.constant 4096 : i32
      %mul3A_95 = arith.muli %add3A, %mul3A_94 : i32
      %mul3A_96 = arith.constant 128 : i32
      %mul3A_97 = arith.muli %scan3A_32, %mul3A_96 : i32
      %add3A_98 = arith.addi %mul3A_95, %mul3A_97 : i32
      %add3A_99 = arith.constant 32 : i32
      %add3A_100 = arith.addi %add3A_98, %add3A_99 : i32
      %dma_start3A_101 = arith.constant 0 : i32
      %dma_start3A_102 = tpu.memref_slice %arg4[%add3A_100, %dma_start3A_101] : memref<131072x768xf32, #tpu.memory_space<hbm>> -> memref<16x768xf32, #tpu.memory_space<hbm>>
      %dma_start3A_103 = arith.constant 0 : i32
      %dma_start3A_104 = tpu.memref_slice %arg4[%add3A_100, %dma_start3A_103] : memref<131072x768xf32, #tpu.memory_space<hbm>> -> memref<16x768xf32, #tpu.memory_space<hbm>>
      tpu.enqueue_dma source(%arg8 : memref<16x768xf32, #tpu.memory_space<vmem>>) target(%dma_start3A_104 : memref<16x768xf32, #tpu.memory_space<hbm>>) target_semaphore(%arg16 : memref<!tpu.dma_semaphore, #tpu.memory_space<semaphore_mem>>)
      %dma_wait3A_105 = arith.constant 0 : i32
      %dma_wait3A_106 = arith.constant 0 : i32
      %dma_wait3A_107 = tpu.memref_slice %arg4[%dma_wait3A_105, %dma_wait3A_106] : memref<131072x768xf32, #tpu.memory_space<hbm>> -> memref<16x768xf32, #tpu.memory_space<hbm>>
      %dma_wait3A_108 = arith.constant 0 : i32
      %dma_wait3A_109 = arith.constant 0 : i32
      %dma_wait3A_110 = tpu.memref_slice %arg4[%dma_wait3A_108, %dma_wait3A_109] : memref<131072x768xf32, #tpu.memory_space<hbm>> -> memref<16x768xf32, #tpu.memory_space<hbm>>
      tpu.wait_dma2 semaphore(%arg14 : memref<!tpu.dma_semaphore, #tpu.memory_space<semaphore_mem>>) src(%arg6 : memref<16x768xf32, #tpu.memory_space<vmem>>) dst(%dma_wait3A_110 : memref<16x768xf32, #tpu.memory_space<hbm>>)
      %dma_start3A_111 = arith.constant 4 : i32
      %dma_start3A_112 = arith.constant 0 : i32
      %dma_start3A_113 = tpu.memref_slice %arg5[%scan3A_32, %dma_start3A_111, %dma_start3A_112] : memref<32x8x16xi32, #tpu.memory_space<vmem>> -> memref<1x1x16xi32, #tpu.memory_space<vmem>>
      %dma_start3A_114 = tpu.memref_squeeze %dma_start3A_113 : memref<1x1x16xi32, #tpu.memory_space<vmem>> -> memref<16xi32, #tpu.memory_space<vmem>>
      %dma_start3A_115 = arith.constant 0 : i32
      %dma_start3A_116 = arith.constant 0 : i32
      %dma_start3A_117 = tpu.memref_slice %arg2[%dma_start3A_115, %dma_start3A_116] : memref<30522x768xf32, #tpu.memory_space<hbm>> -> memref<30522x768xf32, #tpu.memory_space<hbm>>
      tpu.enqueue_indirect_dma source(%dma_start3A_117 : memref<30522x768xf32, #tpu.memory_space<hbm>>) target(%arg6 : memref<16x768xf32, #tpu.memory_space<vmem>>) offsets(%dma_start3A_114 : memref<16xi32, #tpu.memory_space<vmem>>) semaphore(%arg10 : memref<!tpu.dma_semaphore, #tpu.memory_space<semaphore_mem>>)
      %dma_wait3A_118 = arith.constant 0 : i32
      %dma_wait3A_119 = arith.constant 0 : i32
      %dma_wait3A_120 = tpu.memref_slice %arg2[%dma_wait3A_118, %dma_wait3A_119] : memref<30522x768xf32, #tpu.memory_space<hbm>> -> memref<16x768xf32, #tpu.memory_space<hbm>>
      %dma_wait3A_121 = arith.constant 0 : i32
      %dma_wait3A_122 = arith.constant 0 : i32
      %dma_wait3A_123 = tpu.memref_slice %arg2[%dma_wait3A_121, %dma_wait3A_122] : memref<30522x768xf32, #tpu.memory_space<hbm>> -> memref<16x768xf32, #tpu.memory_space<hbm>>
      tpu.wait_dma2 semaphore(%arg13 : memref<!tpu.dma_semaphore, #tpu.memory_space<semaphore_mem>>) src(%dma_wait3A_123 : memref<16x768xf32, #tpu.memory_space<hbm>>) dst(%arg9 : memref<16x768xf32, #tpu.memory_space<vmem>>)
      %mul3A_124 = arith.constant 4096 : i32
      %mul3A_125 = arith.muli %add3A, %mul3A_124 : i32
      %mul3A_126 = arith.constant 128 : i32
      %mul3A_127 = arith.muli %scan3A_32, %mul3A_126 : i32
      %add3A_128 = arith.addi %mul3A_125, %mul3A_127 : i32
      %add3A_129 = arith.constant 48 : i32
      %add3A_130 = arith.addi %add3A_128, %add3A_129 : i32
      %dma_start3A_131 = arith.constant 0 : i32
      %dma_start3A_132 = tpu.memref_slice %arg4[%add3A_130, %dma_start3A_131] : memref<131072x768xf32, #tpu.memory_space<hbm>> -> memref<16x768xf32, #tpu.memory_space<hbm>>
      %dma_start3A_133 = arith.constant 0 : i32
      %dma_start3A_134 = tpu.memref_slice %arg4[%add3A_130, %dma_start3A_133] : memref<131072x768xf32, #tpu.memory_space<hbm>> -> memref<16x768xf32, #tpu.memory_space<hbm>>
      tpu.enqueue_dma source(%arg9 : memref<16x768xf32, #tpu.memory_space<vmem>>) target(%dma_start3A_134 : memref<16x768xf32, #tpu.memory_space<hbm>>) target_semaphore(%arg17 : memref<!tpu.dma_semaphore, #tpu.memory_space<semaphore_mem>>)
      %dma_wait3A_135 = arith.constant 0 : i32
      %dma_wait3A_136 = arith.constant 0 : i32
      %dma_wait3A_137 = tpu.memref_slice %arg4[%dma_wait3A_135, %dma_wait3A_136] : memref<131072x768xf32, #tpu.memory_space<hbm>> -> memref<16x768xf32, #tpu.memory_space<hbm>>
      %dma_wait3A_138 = arith.constant 0 : i32
      %dma_wait3A_139 = arith.constant 0 : i32
      %dma_wait3A_140 = tpu.memref_slice %arg4[%dma_wait3A_138, %dma_wait3A_139] : memref<131072x768xf32, #tpu.memory_space<hbm>> -> memref<16x768xf32, #tpu.memory_space<hbm>>
      tpu.wait_dma2 semaphore(%arg15 : memref<!tpu.dma_semaphore, #tpu.memory_space<semaphore_mem>>) src(%arg7 : memref<16x768xf32, #tpu.memory_space<vmem>>) dst(%dma_wait3A_140 : memref<16x768xf32, #tpu.memory_space<hbm>>)
      %dma_start3A_141 = arith.constant 5 : i32
      %dma_start3A_142 = arith.constant 0 : i32
      %dma_start3A_143 = tpu.memref_slice %arg5[%scan3A_32, %dma_start3A_141, %dma_start3A_142] : memref<32x8x16xi32, #tpu.memory_space<vmem>> -> memref<1x1x16xi32, #tpu.memory_space<vmem>>
      %dma_start3A_144 = tpu.memref_squeeze %dma_start3A_143 : memref<1x1x16xi32, #tpu.memory_space<vmem>> -> memref<16xi32, #tpu.memory_space<vmem>>
      %dma_start3A_145 = arith.constant 0 : i32
      %dma_start3A_146 = arith.constant 0 : i32
      %dma_start3A_147 = tpu.memref_slice %arg2[%dma_start3A_145, %dma_start3A_146] : memref<30522x768xf32, #tpu.memory_space<hbm>> -> memref<30522x768xf32, #tpu.memory_space<hbm>>
      tpu.enqueue_indirect_dma source(%dma_start3A_147 : memref<30522x768xf32, #tpu.memory_space<hbm>>) target(%arg7 : memref<16x768xf32, #tpu.memory_space<vmem>>) offsets(%dma_start3A_144 : memref<16xi32, #tpu.memory_space<vmem>>) semaphore(%arg11 : memref<!tpu.dma_semaphore, #tpu.memory_space<semaphore_mem>>)
      %dma_wait3A_148 = arith.constant 0 : i32
      %dma_wait3A_149 = arith.constant 0 : i32
      %dma_wait3A_150 = tpu.memref_slice %arg2[%dma_wait3A_148, %dma_wait3A_149] : memref<30522x768xf32, #tpu.memory_space<hbm>> -> memref<16x768xf32, #tpu.memory_space<hbm>>
      %dma_wait3A_151 = arith.constant 0 : i32
      %dma_wait3A_152 = arith.constant 0 : i32
      %dma_wait3A_153 = tpu.memref_slice %arg2[%dma_wait3A_151, %dma_wait3A_152] : memref<30522x768xf32, #tpu.memory_space<hbm>> -> memref<16x768xf32, #tpu.memory_space<hbm>>
      tpu.wait_dma2 semaphore(%arg10 : memref<!tpu.dma_semaphore, #tpu.memory_space<semaphore_mem>>) src(%dma_wait3A_153 : memref<16x768xf32, #tpu.memory_space<hbm>>) dst(%arg6 : memref<16x768xf32, #tpu.memory_space<vmem>>)
      %mul3A_154 = arith.constant 4096 : i32
      %mul3A_155 = arith.muli %add3A, %mul3A_154 : i32
      %mul3A_156 = arith.constant 128 : i32
      %mul3A_157 = arith.muli %scan3A_32, %mul3A_156 : i32
      %add3A_158 = arith.addi %mul3A_155, %mul3A_157 : i32
      %add3A_159 = arith.constant 64 : i32
      %add3A_160 = arith.addi %add3A_158, %add3A_159 : i32
      %dma_start3A_161 = arith.constant 0 : i32
      %dma_start3A_162 = tpu.memref_slice %arg4[%add3A_160, %dma_start3A_161] : memref<131072x768xf32, #tpu.memory_space<hbm>> -> memref<16x768xf32, #tpu.memory_space<hbm>>
      %dma_start3A_163 = arith.constant 0 : i32
      %dma_start3A_164 = tpu.memref_slice %arg4[%add3A_160, %dma_start3A_163] : memref<131072x768xf32, #tpu.memory_space<hbm>> -> memref<16x768xf32, #tpu.memory_space<hbm>>
      tpu.enqueue_dma source(%arg6 : memref<16x768xf32, #tpu.memory_space<vmem>>) target(%dma_start3A_164 : memref<16x768xf32, #tpu.memory_space<hbm>>) target_semaphore(%arg14 : memref<!tpu.dma_semaphore, #tpu.memory_space<semaphore_mem>>)
      %dma_wait3A_165 = arith.constant 0 : i32
      %dma_wait3A_166 = arith.constant 0 : i32
      %dma_wait3A_167 = tpu.memref_slice %arg4[%dma_wait3A_165, %dma_wait3A_166] : memref<131072x768xf32, #tpu.memory_space<hbm>> -> memref<16x768xf32, #tpu.memory_space<hbm>>
      %dma_wait3A_168 = arith.constant 0 : i32
      %dma_wait3A_169 = arith.constant 0 : i32
      %dma_wait3A_170 = tpu.memref_slice %arg4[%dma_wait3A_168, %dma_wait3A_169] : memref<131072x768xf32, #tpu.memory_space<hbm>> -> memref<16x768xf32, #tpu.memory_space<hbm>>
      tpu.wait_dma2 semaphore(%arg16 : memref<!tpu.dma_semaphore, #tpu.memory_space<semaphore_mem>>) src(%arg8 : memref<16x768xf32, #tpu.memory_space<vmem>>) dst(%dma_wait3A_170 : memref<16x768xf32, #tpu.memory_space<hbm>>)
      %dma_start3A_171 = arith.constant 6 : i32
      %dma_start3A_172 = arith.constant 0 : i32
      %dma_start3A_173 = tpu.memref_slice %arg5[%scan3A_32, %dma_start3A_171, %dma_start3A_172] : memref<32x8x16xi32, #tpu.memory_space<vmem>> -> memref<1x1x16xi32, #tpu.memory_space<vmem>>
      %dma_start3A_174 = tpu.memref_squeeze %dma_start3A_173 : memref<1x1x16xi32, #tpu.memory_space<vmem>> -> memref<16xi32, #tpu.memory_space<vmem>>
      %dma_start3A_175 = arith.constant 0 : i32
      %dma_start3A_176 = arith.constant 0 : i32
      %dma_start3A_177 = tpu.memref_slice %arg2[%dma_start3A_175, %dma_start3A_176] : memref<30522x768xf32, #tpu.memory_space<hbm>> -> memref<30522x768xf32, #tpu.memory_space<hbm>>
      tpu.enqueue_indirect_dma source(%dma_start3A_177 : memref<30522x768xf32, #tpu.memory_space<hbm>>) target(%arg8 : memref<16x768xf32, #tpu.memory_space<vmem>>) offsets(%dma_start3A_174 : memref<16xi32, #tpu.memory_space<vmem>>) semaphore(%arg12 : memref<!tpu.dma_semaphore, #tpu.memory_space<semaphore_mem>>)
      %dma_wait3A_178 = arith.constant 0 : i32
      %dma_wait3A_179 = arith.constant 0 : i32
      %dma_wait3A_180 = tpu.memref_slice %arg2[%dma_wait3A_178, %dma_wait3A_179] : memref<30522x768xf32, #tpu.memory_space<hbm>> -> memref<16x768xf32, #tpu.memory_space<hbm>>
      %dma_wait3A_181 = arith.constant 0 : i32
      %dma_wait3A_182 = arith.constant 0 : i32
      %dma_wait3A_183 = tpu.memref_slice %arg2[%dma_wait3A_181, %dma_wait3A_182] : memref<30522x768xf32, #tpu.memory_space<hbm>> -> memref<16x768xf32, #tpu.memory_space<hbm>>
      tpu.wait_dma2 semaphore(%arg11 : memref<!tpu.dma_semaphore, #tpu.memory_space<semaphore_mem>>) src(%dma_wait3A_183 : memref<16x768xf32, #tpu.memory_space<hbm>>) dst(%arg7 : memref<16x768xf32, #tpu.memory_space<vmem>>)
      %mul3A_184 = arith.constant 4096 : i32
      %mul3A_185 = arith.muli %add3A, %mul3A_184 : i32
      %mul3A_186 = arith.constant 128 : i32
      %mul3A_187 = arith.muli %scan3A_32, %mul3A_186 : i32
      %add3A_188 = arith.addi %mul3A_185, %mul3A_187 : i32
      %add3A_189 = arith.constant 80 : i32
      %add3A_190 = arith.addi %add3A_188, %add3A_189 : i32
      %dma_start3A_191 = arith.constant 0 : i32
      %dma_start3A_192 = tpu.memref_slice %arg4[%add3A_190, %dma_start3A_191] : memref<131072x768xf32, #tpu.memory_space<hbm>> -> memref<16x768xf32, #tpu.memory_space<hbm>>
      %dma_start3A_193 = arith.constant 0 : i32
      %dma_start3A_194 = tpu.memref_slice %arg4[%add3A_190, %dma_start3A_193] : memref<131072x768xf32, #tpu.memory_space<hbm>> -> memref<16x768xf32, #tpu.memory_space<hbm>>
      tpu.enqueue_dma source(%arg7 : memref<16x768xf32, #tpu.memory_space<vmem>>) target(%dma_start3A_194 : memref<16x768xf32, #tpu.memory_space<hbm>>) target_semaphore(%arg15 : memref<!tpu.dma_semaphore, #tpu.memory_space<semaphore_mem>>)
      %dma_wait3A_195 = arith.constant 0 : i32
      %dma_wait3A_196 = arith.constant 0 : i32
      %dma_wait3A_197 = tpu.memref_slice %arg4[%dma_wait3A_195, %dma_wait3A_196] : memref<131072x768xf32, #tpu.memory_space<hbm>> -> memref<16x768xf32, #tpu.memory_space<hbm>>
      %dma_wait3A_198 = arith.constant 0 : i32
      %dma_wait3A_199 = arith.constant 0 : i32
      %dma_wait3A_200 = tpu.memref_slice %arg4[%dma_wait3A_198, %dma_wait3A_199] : memref<131072x768xf32, #tpu.memory_space<hbm>> -> memref<16x768xf32, #tpu.memory_space<hbm>>
      tpu.wait_dma2 semaphore(%arg17 : memref<!tpu.dma_semaphore, #tpu.memory_space<semaphore_mem>>) src(%arg9 : memref<16x768xf32, #tpu.memory_space<vmem>>) dst(%dma_wait3A_200 : memref<16x768xf32, #tpu.memory_space<hbm>>)
      %dma_start3A_201 = arith.constant 7 : i32
      %dma_start3A_202 = arith.constant 0 : i32
      %dma_start3A_203 = tpu.memref_slice %arg5[%scan3A_32, %dma_start3A_201, %dma_start3A_202] : memref<32x8x16xi32, #tpu.memory_space<vmem>> -> memref<1x1x16xi32, #tpu.memory_space<vmem>>
      %dma_start3A_204 = tpu.memref_squeeze %dma_start3A_203 : memref<1x1x16xi32, #tpu.memory_space<vmem>> -> memref<16xi32, #tpu.memory_space<vmem>>
      %dma_start3A_205 = arith.constant 0 : i32
      %dma_start3A_206 = arith.constant 0 : i32
      %dma_start3A_207 = tpu.memref_slice %arg2[%dma_start3A_205, %dma_start3A_206] : memref<30522x768xf32, #tpu.memory_space<hbm>> -> memref<30522x768xf32, #tpu.memory_space<hbm>>
      tpu.enqueue_indirect_dma source(%dma_start3A_207 : memref<30522x768xf32, #tpu.memory_space<hbm>>) target(%arg9 : memref<16x768xf32, #tpu.memory_space<vmem>>) offsets(%dma_start3A_204 : memref<16xi32, #tpu.memory_space<vmem>>) semaphore(%arg13 : memref<!tpu.dma_semaphore, #tpu.memory_space<semaphore_mem>>)
      %dma_wait3A_208 = arith.constant 0 : i32
      %dma_wait3A_209 = arith.constant 0 : i32
      %dma_wait3A_210 = tpu.memref_slice %arg2[%dma_wait3A_208, %dma_wait3A_209] : memref<30522x768xf32, #tpu.memory_space<hbm>> -> memref<16x768xf32, #tpu.memory_space<hbm>>
      %dma_wait3A_211 = arith.constant 0 : i32
      %dma_wait3A_212 = arith.constant 0 : i32
      %dma_wait3A_213 = tpu.memref_slice %arg2[%dma_wait3A_211, %dma_wait3A_212] : memref<30522x768xf32, #tpu.memory_space<hbm>> -> memref<16x768xf32, #tpu.memory_space<hbm>>
      tpu.wait_dma2 semaphore(%arg12 : memref<!tpu.dma_semaphore, #tpu.memory_space<semaphore_mem>>) src(%dma_wait3A_213 : memref<16x768xf32, #tpu.memory_space<hbm>>) dst(%arg8 : memref<16x768xf32, #tpu.memory_space<vmem>>)
      %mul3A_214 = arith.constant 4096 : i32
      %mul3A_215 = arith.muli %add3A, %mul3A_214 : i32
      %mul3A_216 = arith.constant 128 : i32
      %mul3A_217 = arith.muli %scan3A_32, %mul3A_216 : i32
      %add3A_218 = arith.addi %mul3A_215, %mul3A_217 : i32
      %add3A_219 = arith.constant 96 : i32
      %add3A_220 = arith.addi %add3A_218, %add3A_219 : i32
      %dma_start3A_221 = arith.constant 0 : i32
      %dma_start3A_222 = tpu.memref_slice %arg4[%add3A_220, %dma_start3A_221] : memref<131072x768xf32, #tpu.memory_space<hbm>> -> memref<16x768xf32, #tpu.memory_space<hbm>>
      %dma_start3A_223 = arith.constant 0 : i32
      %dma_start3A_224 = tpu.memref_slice %arg4[%add3A_220, %dma_start3A_223] : memref<131072x768xf32, #tpu.memory_space<hbm>> -> memref<16x768xf32, #tpu.memory_space<hbm>>
      tpu.enqueue_dma source(%arg8 : memref<16x768xf32, #tpu.memory_space<vmem>>) target(%dma_start3A_224 : memref<16x768xf32, #tpu.memory_space<hbm>>) target_semaphore(%arg16 : memref<!tpu.dma_semaphore, #tpu.memory_space<semaphore_mem>>)
      %dma_wait3A_225 = arith.constant 0 : i32
      %dma_wait3A_226 = arith.constant 0 : i32
      %dma_wait3A_227 = tpu.memref_slice %arg4[%dma_wait3A_225, %dma_wait3A_226] : memref<131072x768xf32, #tpu.memory_space<hbm>> -> memref<16x768xf32, #tpu.memory_space<hbm>>
      %dma_wait3A_228 = arith.constant 0 : i32
      %dma_wait3A_229 = arith.constant 0 : i32
      %dma_wait3A_230 = tpu.memref_slice %arg4[%dma_wait3A_228, %dma_wait3A_229] : memref<131072x768xf32, #tpu.memory_space<hbm>> -> memref<16x768xf32, #tpu.memory_space<hbm>>
      tpu.wait_dma2 semaphore(%arg14 : memref<!tpu.dma_semaphore, #tpu.memory_space<semaphore_mem>>) src(%arg6 : memref<16x768xf32, #tpu.memory_space<vmem>>) dst(%dma_wait3A_230 : memref<16x768xf32, #tpu.memory_space<hbm>>)
      %lt3A = arith.constant 31 : i32
      %lt3A_231 = arith.cmpi slt, %scan3A_32, %lt3A : i32
      %convert_element_type3A_232 = arith.extui %lt3A_231 : i1 to i32
      %cond3A_233 = arith.constant 0 : i32
      %cond3A_234 = arith.cmpi ne, %convert_element_type3A_232, %cond3A_233 : i32
      scf.if %cond3A_234 {
        %add3A_263 = arith.constant 1 : i32
        %add3A_264 = arith.addi %scan3A_32, %add3A_263 : i32
        %dma_start3A_265 = arith.constant 0 : i32
        %dma_start3A_266 = arith.constant 0 : i32
        %dma_start3A_267 = tpu.memref_slice %arg5[%add3A_264, %dma_start3A_265, %dma_start3A_266] : memref<32x8x16xi32, #tpu.memory_space<vmem>> -> memref<1x1x16xi32, #tpu.memory_space<vmem>>
        %dma_start3A_268 = tpu.memref_squeeze %dma_start3A_267 : memref<1x1x16xi32, #tpu.memory_space<vmem>> -> memref<16xi32, #tpu.memory_space<vmem>>
        %dma_start3A_269 = arith.constant 0 : i32
        %dma_start3A_270 = arith.constant 0 : i32
        %dma_start3A_271 = tpu.memref_slice %arg2[%dma_start3A_269, %dma_start3A_270] : memref<30522x768xf32, #tpu.memory_space<hbm>> -> memref<30522x768xf32, #tpu.memory_space<hbm>>
        tpu.enqueue_indirect_dma source(%dma_start3A_271 : memref<30522x768xf32, #tpu.memory_space<hbm>>) target(%arg6 : memref<16x768xf32, #tpu.memory_space<vmem>>) offsets(%dma_start3A_268 : memref<16xi32, #tpu.memory_space<vmem>>) semaphore(%arg10 : memref<!tpu.dma_semaphore, #tpu.memory_space<semaphore_mem>>)
      } else {
      }
      %dma_wait3A_235 = arith.constant 0 : i32
      %dma_wait3A_236 = arith.constant 0 : i32
      %dma_wait3A_237 = tpu.memref_slice %arg2[%dma_wait3A_235, %dma_wait3A_236] : memref<30522x768xf32, #tpu.memory_space<hbm>> -> memref<16x768xf32, #tpu.memory_space<hbm>>
      %dma_wait3A_238 = arith.constant 0 : i32
      %dma_wait3A_239 = arith.constant 0 : i32
      %dma_wait3A_240 = tpu.memref_slice %arg2[%dma_wait3A_238, %dma_wait3A_239] : memref<30522x768xf32, #tpu.memory_space<hbm>> -> memref<16x768xf32, #tpu.memory_space<hbm>>
      tpu.wait_dma2 semaphore(%arg13 : memref<!tpu.dma_semaphore, #tpu.memory_space<semaphore_mem>>) src(%dma_wait3A_240 : memref<16x768xf32, #tpu.memory_space<hbm>>) dst(%arg9 : memref<16x768xf32, #tpu.memory_space<vmem>>)
      %mul3A_241 = arith.constant 4096 : i32
      %mul3A_242 = arith.muli %add3A, %mul3A_241 : i32
      %mul3A_243 = arith.constant 128 : i32
      %mul3A_244 = arith.muli %scan3A_32, %mul3A_243 : i32
      %add3A_245 = arith.addi %mul3A_242, %mul3A_244 : i32
      %add3A_246 = arith.constant 112 : i32
      %add3A_247 = arith.addi %add3A_245, %add3A_246 : i32
      %dma_start3A_248 = arith.constant 0 : i32
      %dma_start3A_249 = tpu.memref_slice %arg4[%add3A_247, %dma_start3A_248] : memref<131072x768xf32, #tpu.memory_space<hbm>> -> memref<16x768xf32, #tpu.memory_space<hbm>>
      %dma_start3A_250 = arith.constant 0 : i32
      %dma_start3A_251 = tpu.memref_slice %arg4[%add3A_247, %dma_start3A_250] : memref<131072x768xf32, #tpu.memory_space<hbm>> -> memref<16x768xf32, #tpu.memory_space<hbm>>
      tpu.enqueue_dma source(%arg9 : memref<16x768xf32, #tpu.memory_space<vmem>>) target(%dma_start3A_251 : memref<16x768xf32, #tpu.memory_space<hbm>>) target_semaphore(%arg17 : memref<!tpu.dma_semaphore, #tpu.memory_space<semaphore_mem>>)
      %dma_wait3A_252 = arith.constant 0 : i32
      %dma_wait3A_253 = arith.constant 0 : i32
      %dma_wait3A_254 = tpu.memref_slice %arg4[%dma_wait3A_252, %dma_wait3A_253] : memref<131072x768xf32, #tpu.memory_space<hbm>> -> memref<16x768xf32, #tpu.memory_space<hbm>>
      %dma_wait3A_255 = arith.constant 0 : i32
      %dma_wait3A_256 = arith.constant 0 : i32
      %dma_wait3A_257 = tpu.memref_slice %arg4[%dma_wait3A_255, %dma_wait3A_256] : memref<131072x768xf32, #tpu.memory_space<hbm>> -> memref<16x768xf32, #tpu.memory_space<hbm>>
      tpu.wait_dma2 semaphore(%arg15 : memref<!tpu.dma_semaphore, #tpu.memory_space<semaphore_mem>>) src(%arg7 : memref<16x768xf32, #tpu.memory_space<vmem>>) dst(%dma_wait3A_257 : memref<16x768xf32, #tpu.memory_space<hbm>>)
      %lt3A_258 = arith.constant 31 : i32
      %lt3A_259 = arith.cmpi slt, %scan3A_32, %lt3A_258 : i32
      %convert_element_type3A_260 = arith.extui %lt3A_259 : i1 to i32
      %cond3A_261 = arith.constant 0 : i32
      %cond3A_262 = arith.cmpi ne, %convert_element_type3A_260, %cond3A_261 : i32
      scf.if %cond3A_262 {
        %add3A_263 = arith.constant 1 : i32
        %add3A_264 = arith.addi %scan3A_32, %add3A_263 : i32
        %dma_start3A_265 = arith.constant 1 : i32
        %dma_start3A_266 = arith.constant 0 : i32
        %dma_start3A_267 = tpu.memref_slice %arg5[%add3A_264, %dma_start3A_265, %dma_start3A_266] : memref<32x8x16xi32, #tpu.memory_space<vmem>> -> memref<1x1x16xi32, #tpu.memory_space<vmem>>
        %dma_start3A_268 = tpu.memref_squeeze %dma_start3A_267 : memref<1x1x16xi32, #tpu.memory_space<vmem>> -> memref<16xi32, #tpu.memory_space<vmem>>
        %dma_start3A_269 = arith.constant 0 : i32
        %dma_start3A_270 = arith.constant 0 : i32
        %dma_start3A_271 = tpu.memref_slice %arg2[%dma_start3A_269, %dma_start3A_270] : memref<30522x768xf32, #tpu.memory_space<hbm>> -> memref<30522x768xf32, #tpu.memory_space<hbm>>
        tpu.enqueue_indirect_dma source(%dma_start3A_271 : memref<30522x768xf32, #tpu.memory_space<hbm>>) target(%arg7 : memref<16x768xf32, #tpu.memory_space<vmem>>) offsets(%dma_start3A_268 : memref<16xi32, #tpu.memory_space<vmem>>) semaphore(%arg11 : memref<!tpu.dma_semaphore, #tpu.memory_space<semaphore_mem>>)
      } else {
      }
    }
    %scan3A_20 = arith.constant 32 : i32
    %dma_wait3A = arith.constant 0 : i32
    %dma_wait3A_21 = arith.constant 0 : i32
    %dma_wait3A_22 = tpu.memref_slice %arg4[%dma_wait3A, %dma_wait3A_21] : memref<131072x768xf32, #tpu.memory_space<hbm>> -> memref<16x768xf32, #tpu.memory_space<hbm>>
    %dma_wait3A_23 = arith.constant 0 : i32
    %dma_wait3A_24 = arith.constant 0 : i32
    %dma_wait3A_25 = tpu.memref_slice %arg4[%dma_wait3A_23, %dma_wait3A_24] : memref<131072x768xf32, #tpu.memory_space<hbm>> -> memref<16x768xf32, #tpu.memory_space<hbm>>
    tpu.wait_dma2 semaphore(%arg16 : memref<!tpu.dma_semaphore, #tpu.memory_space<semaphore_mem>>) src(%arg8 : memref<16x768xf32, #tpu.memory_space<vmem>>) dst(%dma_wait3A_25 : memref<16x768xf32, #tpu.memory_space<hbm>>)
    %dma_wait3A_26 = arith.constant 0 : i32
    %dma_wait3A_27 = arith.constant 0 : i32
    %dma_wait3A_28 = tpu.memref_slice %arg4[%dma_wait3A_26, %dma_wait3A_27] : memref<131072x768xf32, #tpu.memory_space<hbm>> -> memref<16x768xf32, #tpu.memory_space<hbm>>
    %dma_wait3A_29 = arith.constant 0 : i32
    %dma_wait3A_30 = arith.constant 0 : i32
    %dma_wait3A_31 = tpu.memref_slice %arg4[%dma_wait3A_29, %dma_wait3A_30] : memref<131072x768xf32, #tpu.memory_space<hbm>> -> memref<16x768xf32, #tpu.memory_space<hbm>>
    tpu.wait_dma2 semaphore(%arg17 : memref<!tpu.dma_semaphore, #tpu.memory_space<semaphore_mem>>) src(%arg9 : memref<16x768xf32, #tpu.memory_space<vmem>>) dst(%dma_wait3A_31 : memref<16x768xf32, #tpu.memory_space<hbm>>)
    return
  }
}

module attributes {stable_mosaic.version = 14 : i64} {
  func.func @_ln_body(%arg0: i32, %arg1: memref<2048x768xf32, #tpu.memory_space<vmem>>, %arg2: memref<128x768xf32, #tpu.memory_space<vmem>>, %arg3: memref<1x768xf32, #tpu.memory_space<vmem>>, %arg4: memref<1x768xf32, #tpu.memory_space<vmem>>, %arg5: memref<2048x768xf32, #tpu.memory_space<vmem>>) attributes {dimension_semantics = [#tpu.dimension_semantics<arbitrary>], iteration_bounds = array<i64: 64>, scalar_prefetch = 0 : i64, scratch_operands = 0 : i64, tpu.core_type = #tpu.core_type<tc>, window_params = [{transform_indices = @transform_0, window_bounds = array<i64: 2048, 768>}, {pipeline_mode = #tpu.pipeline_mode<synchronous>, transform_indices = @transform_1, window_bounds = array<i64: 128, 768>}, {pipeline_mode = #tpu.pipeline_mode<synchronous>, transform_indices = @transform_2, window_bounds = array<i64: 1, 768>}, {pipeline_mode = #tpu.pipeline_mode<synchronous>, transform_indices = @transform_3, window_bounds = array<i64: 1, 768>}, {transform_indices = @transform_4, window_bounds = array<i64: 2048, 768>}]} {
    %get3A = arith.constant 0 : index
    %get3A_0 = arith.constant 0 : index
    %get3A_1 = vector.load %arg1[%get3A, %get3A_0] : memref<2048x768xf32, #tpu.memory_space<vmem>>, vector<2048x768xf32>
    %reshape3A = vector.shape_cast %get3A_1 : vector<2048x768xf32> to vector<16x128x768xf32>
    %get3A_2 = arith.constant 0 : index
    %get3A_3 = arith.constant 0 : index
    %get3A_4 = vector.load %arg2[%get3A_2, %get3A_3] : memref<128x768xf32, #tpu.memory_space<vmem>>, vector<128x768xf32>
    %broadcast_in_dim3A = vector.shape_cast %get3A_4 : vector<128x768xf32> to vector<1x128x768xf32>
    %add3A = vector.broadcast %broadcast_in_dim3A : vector<1x128x768xf32> to vector<16x128x768xf32>
    %add3A_5 = arith.addf %reshape3A, %add3A : vector<16x128x768xf32>
    %reshape3A_6 = vector.shape_cast %add3A_5 : vector<16x128x768xf32> to vector<2048x768xf32>
    %reduce_sum3A = arith.constant dense<0.000000e+00> : vector<2048xf32>
    %reduce_sum3A_7 = vector.multi_reduction <add>, %reshape3A_6, %reduce_sum3A [1] : vector<2048x768xf32> to vector<2048xf32>
    %broadcast_in_dim3A_8 = vector.shape_cast %reduce_sum3A_7 : vector<2048xf32> to vector<2048x1xf32>
    %div3A = arith.constant 7.680000e+02 : f32
    %div3A_9 = vector.broadcast %div3A : f32 to vector<2048x1xf32>
    %div3A_10 = arith.divf %broadcast_in_dim3A_8, %div3A_9 : vector<2048x1xf32>
    %sub3A = vector.broadcast %div3A_10 : vector<2048x1xf32> to vector<2048x768xf32>
    %sub3A_11 = arith.subf %reshape3A_6, %sub3A : vector<2048x768xf32>
    %mul3A = arith.mulf %sub3A_11, %sub3A_11 : vector<2048x768xf32>
    %reduce_sum3A_12 = arith.constant dense<0.000000e+00> : vector<2048xf32>
    %reduce_sum3A_13 = vector.multi_reduction <add>, %mul3A, %reduce_sum3A_12 [1] : vector<2048x768xf32> to vector<2048xf32>
    %broadcast_in_dim3A_14 = vector.shape_cast %reduce_sum3A_13 : vector<2048xf32> to vector<2048x1xf32>
    %div3A_15 = arith.constant 7.680000e+02 : f32
    %div3A_16 = vector.broadcast %div3A_15 : f32 to vector<2048x1xf32>
    %div3A_17 = arith.divf %broadcast_in_dim3A_14, %div3A_16 : vector<2048x1xf32>
    %add3A_18 = arith.constant 9.99999996E-13 : f32
    %add3A_19 = vector.broadcast %add3A_18 : f32 to vector<2048x1xf32>
    %add3A_20 = arith.addf %div3A_17, %add3A_19 : vector<2048x1xf32>
    %rsqrt3A = math.rsqrt %add3A_20 : vector<2048x1xf32>
    %mul3A_21 = vector.broadcast %rsqrt3A : vector<2048x1xf32> to vector<2048x768xf32>
    %mul3A_22 = arith.mulf %sub3A_11, %mul3A_21 : vector<2048x768xf32>
    %get3A_23 = arith.constant 0 : index
    %get3A_24 = arith.constant 0 : index
    %get3A_25 = vector.load %arg3[%get3A_23, %get3A_24] : memref<1x768xf32, #tpu.memory_space<vmem>>, vector<1x768xf32>
    %mul3A_26 = vector.broadcast %get3A_25 : vector<1x768xf32> to vector<2048x768xf32>
    %mul3A_27 = arith.mulf %mul3A_22, %mul3A_26 : vector<2048x768xf32>
    %get3A_28 = arith.constant 0 : index
    %get3A_29 = arith.constant 0 : index
    %get3A_30 = vector.load %arg4[%get3A_28, %get3A_29] : memref<1x768xf32, #tpu.memory_space<vmem>>, vector<1x768xf32>
    %add3A_31 = vector.broadcast %get3A_30 : vector<1x768xf32> to vector<2048x768xf32>
    %add3A_32 = arith.addf %mul3A_27, %add3A_31 : vector<2048x768xf32>
    %swap3A = arith.constant 0 : index
    %swap3A_33 = arith.constant 0 : index
    %swap3A_34 = vector.load %arg5[%swap3A, %swap3A_33] : memref<2048x768xf32, #tpu.memory_space<vmem>>, vector<2048x768xf32>
    tpu.vector_store %arg5[%swap3A, %swap3A_33], %add3A_32 {strides = array<i32>} : memref<2048x768xf32, #tpu.memory_space<vmem>>, vector<2048x768xf32>,
    return
  }
  func.func @transform_0(%arg0: i32) -> (i32, i32) {
    %c0_i32 = arith.constant 0 : i32
    %c0_i32_0 = arith.constant 0 : i32
    return %arg0, %c0_i32 : i32, i32
  }
  func.func @transform_1(%arg0: i32) -> (i32, i32) {
    %c0_i32 = arith.constant 0 : i32
    %c0_i32_0 = arith.constant 0 : i32
    %c0_i32_1 = arith.constant 0 : i32
    return %c0_i32, %c0_i32_0 : i32, i32
  }
  func.func @transform_2(%arg0: i32) -> (i32, i32) {
    %c0_i32 = arith.constant 0 : i32
    %c0_i32_0 = arith.constant 0 : i32
    %c0_i32_1 = arith.constant 0 : i32
    return %c0_i32, %c0_i32_0 : i32, i32
  }
  func.func @transform_3(%arg0: i32) -> (i32, i32) {
    %c0_i32 = arith.constant 0 : i32
    %c0_i32_0 = arith.constant 0 : i32
    %c0_i32_1 = arith.constant 0 : i32
    return %c0_i32, %c0_i32_0 : i32, i32
  }
  func.func @transform_4(%arg0: i32) -> (i32, i32) {
    %c0_i32 = arith.constant 0 : i32
    %c0_i32_0 = arith.constant 0 : i32
    return %arg0, %c0_i32 : i32, i32
  }
}

</mosaic_0001>

<sc_bundles>
// kernel: kernel.4.cloned.1.call-start
scs
__scs_entry_jumppad:
0x0: {  	(pc) =	sbr.rel $0x88, $3  }
0x1: {  	(tag) =	ssettag $0x0;
	lr =	simm.s32 $0x1  }
0x2: {  	[smem:$0x3F9B] =	sst lr;
	_ =	strace $0xD0000000  }
0x3: {  	_ = 	snop  }
0x4: {  	_ = 	snop  }
0x5: {  	_ = 	snop  }
0x6: {  	_ = 	snop  }
0x7: {  	_ = 	snop  }
__scs_overlays_trampoline_lowered:
0x8: {  	[smem:$0x3FAA] =	sst s0  }
0x9: {  	[smem:$0x3FAB] =	sst s1  }
0xa: {  	[smem:$0x3FAC] =	sst s2  }
0xb: {  	[smem:$0x3FAD] =	sst s3  }
0xc: {  	[smem:$0x3FAE] =	sst s4  }
0xd: {  	[smem:$0x3FAF] =	sst s5  }
0xe: {  	[smem:$0x3FB0] =	sst s6  }
0xf: {  	[smem:$0x3FB1] =	sst s7  }
0x10: {  	[smem:$0x3FB2] =	sst s8  }
0x11: {  	[smem:$0x3FB3] =	sst s9;
	s0 =	simm.s32 @!p0 $0x0  }
0x12: {  	s1 =	sld [smem:$0x3F99];
	s0 =	simm.s32 @p0 $0x1  }
0x13: {  	[smem:$0x3FB4] =	sst s0;
	s0 =	simm.s32 @!p1 $0x0  }
0x14: {  	s2 =	sld [smem:$0x3F98];
	s0 =	simm.s32 @p1 $0x1  }
0x15: {  	[smem:$0x3FB5] =	sst s0;
	s0 =	simm.s32 @!p2 $0x0  }
0x16: {  	s3 =	sld [smem:$0x3FDB];
	s0 =	simm.s32 @p2 $0x1  }
0x17: {  	s4 =	simm.s32 $0x1BF5;
	[smem:$0x3FB7] =	sst s0  }
0x18: {  	s0 =	sld [smem:$0x3F9A];
	_ =	swait.ge [sflag:s4], $0x0  }
0x19: {  	s7 =	sld [smem:$0x3F9B]  }
0x1a: {  	s8 =	sadd.s32 $0xFFFFE003, lr  }
0x1b: {  	s9 =	sadd.s32 $0xFFFFFEF7, lr;
	s5 =	simm.s32 $0xFFFFFFFF;
	p2 =	slt.u32 s8, $0xFFFFF086  }
0x1c: {  	p1 =	slt.u32 s9, $0xF7A;
	s5 =	simm.s32 @!p2 $0x0  }
0x1d: {  	s5 =	simm.s32 @p1 $0x1;
	p0 =	seq.s32 s7, s2  }
0x1e: {  	s7 =	smul.u32 @!p0 $0xF7A, s2;
	p2 =	seq.s32 @!p0 s5, $0x0  }
0x1f: {  	s9 =	smul.u32 $0xF7A, s1;
	s8 =	simm.s32 @!p0 $0x1BF5;
	p2 =	por !p2, p0  }
0x20: {  	[sflag:s8] =	ssyncset.s32 @!p0 $0xFFFFF086;
	s6 =	sadd.s32 @!p0 s3, s7;
	s7 =	simm.s32 @!p0 $0x108  }
0x21: {  	s3 =	sadd.s32 s3, s9;
	s6 =	sadd.s32 @!p0 $0x88, s6;
	s7 =	simm.s32 @p2 $0x1082  }
0x22: {  	[simem:s7], [sflag:s8] =	dma.local @!p0 [hbm:s6], $0xF7A  }
0x23: {  	s9 =	sor.u32 $0xD0000000, s2;
	s6 =	simm.s32 $0x108;
	_ =	swait.ge @!p0 [sflag:s8], $0x0  }
0x24: {  	s3 =	sadd.s32 $0x88, s3;
	s6 =	simm.s32 @!p1 $0x1082;
	[sflag:s4] =	ssyncset.s32 $0xFFFFF086  }
0x25: {  	[simem:s6], [sflag:s4] =	dma.local [hbm:s3], $0xF7A  }
0x26: {  	[smem:$0x3F9B] =	sst s1;
	(tag) =	ssettag s2;
	_ =	strace s9  }
0x27: {  	s1 =	sld [smem:$0x3FAB]  }
0x28: {  	s2 =	sld [smem:$0x3FAC]  }
0x29: {  	s4 =	sld [smem:$0x3FAE]  }
0x2a: {  	p0 =	seq.s32 s5, $0x0;
	s5 =	sld [smem:$0x3FAF]  }
0x2b: {  	s6 =	sld [smem:$0x3FB0]  }
0x2c: {  	s7 =	sld [smem:$0x3FB1]  }
0x2d: {  	s3 =	simm.s32 $0x108;
	s8 =	sld [smem:$0x3FB2]  }
0x2e: {  	s3 =	simm.s32 @!p0 $0x1082;
	s9 =	sld [smem:$0x3FB3]  }
0x2f: {  	lr =	sadd.s32 s0, s3;
	s0 =	sld [smem:$0x3FAA]  }
0x30: {  	s3 =	sld [smem:$0x3FAD]  }
0x31: {  	[smem:$0x3FB6] =	sst s10  }
0x32: {  	s10 =	sld [smem:$0x3FB4];
	_ =	sdelay $0x3  }
0x33: {  	p0 =	seq.s32 s10, $0x1;
	s10 =	sld [smem:$0x3FB6];
	_ =	sdelay $0x3  }
0x34: {  	[smem:$0x3FB6] =	sst s10  }
0x35: {  	s10 =	sld [smem:$0x3FB5];
	_ =	sdelay $0x3  }
0x36: {  	p1 =	seq.s32 s10, $0x1;
	s10 =	sld [smem:$0x3FB6];
	_ =	sdelay $0x3  }
0x37: {  	[smem:$0x3FB6] =	sst s10  }
0x38: {  	s10 =	sld [smem:$0x3FB7]  }
0x39: {  	_ = 	snop;
	(pc) =	sbr.ind lr, $3  }
0x3a: {  	_ = 	snop  }
0x3b: {  	_ = 	snop  }
0x3c: {  	p2 =	seq.s32 s10, $0x1;
	s10 =	sld [smem:$0x3FB6]  }
0x3d: {  	_ =	shalt  }
0x3e: {  	_ =	shalt  }
0x3f: {  	_ =	shalt  }
0x40: {  	_ =	shalt  }
0x41: {  	_ =	shalt  }
0x42: {  	_ =	shalt  }
0x43: {  	_ =	shalt  }
0x44: {  	_ =	shalt  }
0x45: {  	_ =	shalt  }
0x46: {  	_ =	shalt  }
0x47: {  	_ =	shalt  }
0x48: {  	_ =	shalt  }
0x49: {  	_ =	shalt  }
0x4a: {  	_ =	shalt  }
0x4b: {  	_ =	shalt  }
0x4c: {  	_ =	shalt  }
0x4d: {  	_ =	shalt  }
0x4e: {  	_ =	shalt  }
0x4f: {  	_ =	shalt  }
0x50: {  	_ =	shalt  }
0x51: {  	_ =	shalt  }
0x52: {  	_ =	shalt  }
0x53: {  	_ =	shalt  }
0x54: {  	_ =	shalt  }
0x55: {  	_ =	shalt  }
0x56: {  	_ =	shalt  }
0x57: {  	_ =	shalt  }
0x58: {  	_ =	shalt  }
0x59: {  	_ =	shalt  }
0x5a: {  	_ =	shalt  }
0x5b: {  	_ =	shalt  }
0x5c: {  	_ =	shalt  }
0x5d: {  	_ =	shalt  }
0x5e: {  	_ =	shalt  }
0x5f: {  	_ =	shalt  }
0x60: {  	_ =	shalt  }
0x61: {  	_ =	shalt  }
0x62: {  	_ =	shalt  }
0x63: {  	_ =	shalt  }
0x64: {  	_ =	shalt  }
0x65: {  	_ =	shalt  }
0x66: {  	_ =	shalt  }
0x67: {  	_ =	shalt  }
0x68: {  	_ =	shalt  }
0x69: {  	_ =	shalt  }
0x6a: {  	_ =	shalt  }
0x6b: {  	_ =	shalt  }
0x6c: {  	_ =	shalt  }
0x6d: {  	_ =	shalt  }
0x6e: {  	_ =	shalt  }
0x6f: {  	_ =	shalt  }
0x70: {  	_ =	shalt  }
0x71: {  	_ =	shalt  }
0x72: {  	_ =	shalt  }
0x73: {  	_ =	shalt  }
0x74: {  	_ =	shalt  }
0x75: {  	_ =	shalt  }
0x76: {  	_ =	shalt  }
0x77: {  	_ =	shalt  }
0x78: {  	_ =	shalt  }
0x79: {  	_ =	shalt  }
0x7a: {  	_ =	shalt  }
0x7b: {  	_ =	shalt  }
0x7c: {  	_ =	shalt  }
0x7d: {  	_ =	shalt  }
0x7e: {  	_ =	shalt  }
0x7f: {  	_ =	shalt  }
0x80: {  	_ =	shalt  }
0x81: {  	_ =	shalt  }
0x82: {  	_ =	shalt  }
0x83: {  	_ =	shalt  }
0x84: {  	_ =	shalt  }
0x85: {  	_ =	shalt  }
0x86: {  	_ =	shalt  }
0x87: {  	_ =	shalt  }
.Lfunc_end0:
.L_simem_size_0:
called_computation_lowered:
.L_overlay_start_0:
0x88: {  	s2 =	sld [smem:$0x3FD9]  }
0x89: {  	s3 =	sld [smem:$0x3FFE];
	_ =	sdelay $0x1  }
0x8a: {  	s1 =	srdreg.scid  }
0x8b: {  	s0 =	sand.u32 $0x1, s1  }
0x8c: {  	s17 =	sshll.u32 s0, $0xA;
	s2 =	sadd.s32 s3, s2  }
0x8d: {  	s2 =	sadd.s32 s2, s17  }
0x8e: {  	[smem:$0x3FC2] =	sst s2  }
0x8f: {  	_ = 	snop  }
0x90: {  	s2 =	sld [smem:$0x3FC8]  }
0x91: {  	s18 =	sld [smem:$0x3FD0];
	(tm) =	ssettm $0x1  }
0x92: {  	s4 =	sld [smem:$0x3FFB];
	_ =	sdelay $0x3  }
0x93: {  	_ =	strace s4  }
0x94: {  	s4 =	sld [smem:$0x3FFC];
	_ =	sdelay $0x3  }
0x95: {  	_ =	strace s4  }
0x96: {  	s4 =	sld [smem:$0x3FFD];
	_ =	sdelay $0x3  }
0x97: {  	_ =	strace s4  }
0x98: {  	_ =	strace $0x8FFFFFFF  }
0x99: {  	s19 =	sld [smem:$0x3FDB];
	_ =	sdelay $0x1  }
0x9a: {  	s5 =	simm.s32 $_scs_section_size  }
0x9b: {  	s6 =	simm.s32 $_size__tile_overlayer_lowered;
	s7 =	simm.s32 $_tile_overlayer_lowered  }
0x9c: {  	s22 =	simm.s32 $0x1BFF;
	s21 =	sshll.u32 s7, $0x1;
	s4 =	sadd.s32 s5, s19  }
0x9d: {  	s8 =	simm.s32 $0x0;
	s20 =	sshll.u32 s6, $0x1;
	s6 =	sadd.s32 s21, s4  }
0x9e: {  	[timem:s8], [sflag:s22] =	dma.local [hbm:s6], s20  }
0x9f: {  	_ =	swait.ge [sflag:s22], s20  }
0xa0: {  	s5 =	ssub.s32 $0x0, s20;
	[sflag:s22] =	ssyncset.done $0x0  }
0xa1: {  	[sflag:s22] =	ssyncadd.s32 s5;
	_ =	sdelay $0x1  }
0xa2: {  	s23 =	simm.s32 $0x1B8B  }
0xa3: {  	_ =	swait.ge [sflag:s23], $0x1  }
0xa4: {  	[sflag:s23] =	ssyncset.done $0x0  }
0xa5: {  	s25 =	simm.s32 $0x1B8E;
	s24 =	sld [smem:$0x3FFE];
	[sflag:s23] =	ssyncadd.s32 $0xFFFFFFFF  }
0xa6: {  	s26 =	simm.s32 $execute0_lowered;
	[smem:$0x3FD2] =	sst s25  }
0xa7: {  	s6 =	sshll.u32 s26, $0x1;
	_ =	strace $0x80000046;
	[dreg:$0x1] =	wrdreg $0xFFFFFFFF  }
0xa8: {  	s28 =	simm.s32 $_size_execute0_lowered;
	s4 =	sadd.s32 s4, s6;
	[dreg:$0x0] =	wrdreg $0x0  }
0xa9: {  	s6 =	sshll.u32 s28, $0x1;
	[dreg:$0x2] =	wrdreg s4  }
0xaa: {  	[dreg:$0x3] =	wrdreg s6  }
0xab: {  	[dreg:$0x4] =	wrdreg $0xC0  }
0xac: {  	_ =	task [dreg:s8], $0x5FFFF  }
0xad: {  	[dreg:$0x1] =	wrdreg $0xFFFFFFFF  }
0xae: {  	[dreg:$0x0] =	wrdreg $0x60  }
0xaf: {  	[dreg:$0x2] =	wrdreg s2  }
0xb0: {  	[dreg:$0x3] =	wrdreg s18  }
0xb1: {  	[dreg:$0x4] =	wrdreg s24  }
0xb2: {  	[dreg:$0x5] =	wrdreg $0x9  }
0xb3: {  	_ =	task.clear_ibuf [dreg:s8], $0x6FFFF;
	_ =	strace $0x90000046  }
0xb4: {  	s29 =	simm.s32 $0x9;
	_ =	strace $0x80000048  }
0xb5: {  	_ =	swait.ge [sflag:s29], $0x1  }
0xb6: {  	[sflag:s29] =	ssyncadd.s32 $0xFFFFFFFF  }
0xb7: {  	_ =	strace $0x90000048  }
0xb8: {  	_ =	sfence  }
0xb9: {  	s30 =	sld [smem:$0x0];
	_ =	sdelay $0x2  }
0xba: {  	s31 =	sshll.u32 s1, $0xD;
	s1 =	sshrl.u32 s1, $0x2  }
0xbb: {  	s3 =	sand.u32 $0x4000, s31;
	s1 =	sadd.s32 s1, s30  }
0xbc: {  	s0 =	sor.u32 s3, s0;
	s1 =	sshll.u32 s1, $0x11  }
0xbd: {  	s0 =	sor.u32 s1, s0  }
0xbe: {  	s0 =	sadd.s32 $0x8F2B, s0  }
0xbf: {  	[sflag:s0] =	ssyncadd.remote.s32 $0x1  }
0xc0: {  	_ =	sfence.sel $0xFFFF  }
0xc1: {  	[dreg:$0x0] =	wrdreg $0xFFFFFFFF;
	(pc) =	sbr.abs _section_cstart, $3  }
0xc2: {  	[dreg:$0x1] =	wrdreg $0xFFFFFFFF  }
0xc3: {  	_ =	task.clear_ibuf [dreg:s8], $0x2FFFF;
	_ =	strace $0x9FFFFFFF  }
0xc4: {  	(tm) =	ssettm $0x7FFFFFFF  }
0xc5: {  	_ =	shalt  }
tec
execute0_lowered:
.L_overlay_start_1:
0x0: {  	(tag) =	ssettag $0x1  }
0x1: {  	s1 =	rddreg [dreg:$0x0]  }
0x2: {  	s0 =	srdreg.scid;
	s2 =	rddreg [dreg:$0x1]  }
0x3: {  	s3 =	stileid.u32;
	s5 =	rddreg [dreg:$0x2];
	s15 =	simm.s32 $0x8000  }
0x4: {  	s25 =	simm.s32 $0xC800;
	s26 =	simm.s32 $0xD000;
	s28 =	simm.s32 $0xD800  }
0x5: {  	s31 =	simm.s32 $0xE000;
	s11 =	simm.s32 $0x2;
	s22 =	simm.s32 $0x11000  }
0x6: {  	s9 =	simm.s32 $0x11800;
	s10 =	simm.s32 $0x12000;
	s16 =	simm.s32 $0x12800  }
0x7: {  	s30 =	simm.s32 $0x13000;
	s12 =	simm.s32 $0x13800;
	s0 =	sand.u32 $0x1, s0  }
0x8: {  	s13 =	simm.s32 $0x3;
	s3 =	sshll.u32 s3, $0xD;
	s4 =	sshll.u32 s0, $0xC  }
0x9: {  	s14 =	simm.s32 $0x5;
	s18 =	simm.s32 $0x6;
	s4 =	sor.u32 s4, s3  }
0xa: {  	s0 =	ssub.s32 $0x2, s0;
	s3 =	simm.s32 $0x0;
	s6 =	sshrl.u32 s4, $0x3  }
0xb: {  	s7 =	sshrl.u32 s0, $0x1;
	[smem:$0x7FF] =	sst s3;
	s6 =	smul.u32 $0x300, s6  }
.Ltmp0:
0xc: {  	s0 =	ssub.s32 s0, s7;
	s2 =	sadd.s32 s2, s4;
	(pc) =	sbr.rel .LBB2_1-.Ltmp0, $4  }
0xd: {  	s4 =	simm.s32 $0x0;
	s7 =	simm.s32 $0x10800;
	_ =	strace $0x80000047  }
0xe: {  	v2 =	vlaneseq.u32;
	[dreg:$0x4] =	wrdreg s2;
	s0 =	smax.u32 s0, $0x1;
	s8 =	sadd.s32 s6, s5  }
0xf: {  	vm0 =	vmmov $0xffff;
	v1 =	vshrl.u32 v2, $0x3;
	[dreg:$0x5] =	wrdreg s0;
	s0 =	simm.s32 $0xB000;
	s29 =	sadd.s32 $0x600, s8  }
0x10: {  	v0 =	vand.u32 $0x7, v2;
	v2 =	vor.u32 $0x8, v2;
	v1 =	vmul.u32 $0x8, v1;
	s5 =	sadd.s32 $0x100, s1;
	s6 =	sadd.s32 $0x200, s1;
	[dreg:$0x6] =	wrdreg s29  }
.LBB2_4:
0x11: {  	s2 =	simm.s32 $0x7  }
0x12: {  	_ =	swait.ge [sflag:s2], $0x3000  }
0x13: {  	[sflag:s2] =	ssyncset.done $0x0  }
0x14: {  	s29 =	simm.s32 $0x8;
	[sflag:s2] =	ssyncadd.s32 $0xFFFFD000  }
0x15: {  	_ =	swait.ge [sflag:s29], $0x3000  }
0x16: {  	s4 =	rddreg [dreg:$0x7]  }
0x17: {  	s17 =	rddreg [dreg:$0x5];
	s4 =	sadd.s32 $0x1, s4  }
0x18: {  	p0 =	sne.s32 s4, s17  }
.Ltmp1:
0x19: {  	_ = 	snop;
	(pc) =	sbr.rel @!p0 .LBB2_5-.Ltmp1, $3  }
0x1a: {  	_ =	sdelay $0x1  }
0x1b: {  	s25 =	simm.s32 $0xC800;
	[sflag:s29] =	ssyncset.done $0x0  }
0x1c: {  	s26 =	simm.s32 $0xD000;
	s28 =	simm.s32 $0xD800;
	[sflag:s29] =	ssyncadd.s32 $0xFFFFD000  }
.LBB2_1:
0x1d: {  	[dreg:$0x7] =	wrdreg s4  }
0x1e: {  	s17 =	rddreg [dreg:$0x4];
	s8 =	simm.s32 $0x9  }
0x1f: {  	[tilespmem:s3], [sflag:$0x9] =	stream.linear.gather [hbm4b:s17+s3], $0x8000, $0x38;
	[tilespmem:$0x14000] =	vst v63  }
0x20: {  	_ =	swait.ge [sflag:s8], $0x8000  }
0x21: {  	[sflag:s8] =	ssyncset.done $0x0  }
0x22: {  	[sflag:s8] =	ssyncadd.s32 $0xFFFF8000  }
0x23: {  	v3 =	vld [tilespmem:$0x0];
	_ =	sdelay $0x4  }
0x24: {  	v4 =	vshrl.u32 v3, $0x3  }
0x25: {  	v4 =	vmul.u32 $0x30, v4  }
0x26: {  	v3 =	vand.u32 $0x7, v3  }
0x27: {  	v3 =	vor.u32 v3, v4  }
0x28: {  	v4 =	vperm.xlane v3, v0;
	_ =	sdelay $0x1  }
0x29: {  	v4 =	vadd.s32 v1, v4;
	_ =	sdelay $0x3  }
0x2a: {  	v3 =	vperm.xlane v3, v2  }
0x2b: {  	[tilespmem:s15], [sflag:$0x1] =	stream.indirect_vreg.gather [hbm4b:s1+s3], $0x80, v4, vm0, $0xb8;
	[tilespmem:$0x14000] =	vst v63  }
0x2c: {  	v3 =	vadd.s32 v1, v3;
	s15 =	simm.s32 $0x8800  }
0x2d: {  	[tilespmem:s15], [sflag:$0x1] =	stream.indirect_vreg.gather [hbm4b:s5+s3], $0x80, v4, vm0, $0xb8;
	[tilespmem:$0x14000] =	vst v63  }
0x2e: {  	s19 =	simm.s32 $0x9000  }
0x2f: {  	[tilespmem:s19], [sflag:$0x1] =	stream.indirect_vreg.gather [hbm4b:s6+s3], $0x80, v4, vm0, $0xb8;
	[tilespmem:$0x14000] =	vst v63  }
0x30: {  	s20 =	simm.s32 $0x9800  }
0x31: {  	[tilespmem:s20], [sflag:$0x1] =	stream.indirect_vreg.gather [hbm4b:s1+s3], $0x80, v3, vm0, $0xb8;
	[tilespmem:$0x14000] =	vst v63  }
0x32: {  	s21 =	simm.s32 $0xA000  }
0x33: {  	[tilespmem:s21], [sflag:$0x1] =	stream.indirect_vreg.gather [hbm4b:s5+s3], $0x80, v3, vm0, $0xb8;
	[tilespmem:$0x14000] =	vst v63  }
0x34: {  	s23 =	simm.s32 $0xA800  }
0x35: {  	[tilespmem:s23], [sflag:$0x1] =	stream.indirect_vreg.gather [hbm4b:s6+s3], $0x80, v3, vm0, $0xb8;
	[tilespmem:$0x14000] =	vst v63  }
0x36: {  	v3 =	vld [tilespmem:$0x80];
	_ =	sdelay $0x4  }
0x37: {  	v63 =	vshrl.u32 v3, $0x3  }
0x38: {  	v4 =	vmul.u32 $0x30, v63  }
0x39: {  	v3 =	vand.u32 $0x7, v3  }
0x3a: {  	v3 =	vor.u32 v3, v4  }
0x3b: {  	v4 =	vperm.xlane v3, v0;
	_ =	sdelay $0x1  }
0x3c: {  	v4 =	vadd.s32 v1, v4;
	_ =	sdelay $0x3  }
0x3d: {  	v3 =	vperm.xlane v3, v2  }
0x3e: {  	[tilespmem:s0], [sflag:$0x2] =	stream.indirect_vreg.gather [hbm4b:s1+s3], $0x80, v4, vm0, $0xb8;
	[tilespmem:$0x14000] =	vst v63  }
0x3f: {  	s24 =	simm.s32 $0xB800;
	v3 =	vadd.s32 v1, v3  }
0x40: {  	[tilespmem:s24], [sflag:$0x2] =	stream.indirect_vreg.gather [hbm4b:s5+s3], $0x80, v4, vm0, $0xb8;
	[tilespmem:$0x14000] =	vst v63  }
0x41: {  	s29 =	simm.s32 $0xC000  }
0x42: {  	[tilespmem:s29], [sflag:$0x2] =	stream.indirect_vreg.gather [hbm4b:s6+s3], $0x80, v4, vm0, $0xb8;
	[tilespmem:$0x14000] =	vst v63  }
0x43: {  	_ = 	snop  }
0x44: {  	[tilespmem:s25], [sflag:$0x2] =	stream.indirect_vreg.gather [hbm4b:s1+s3], $0x80, v3, vm0, $0xb8;
	[tilespmem:$0x14000] =	vst v63  }
0x45: {  	_ = 	snop  }
0x46: {  	[tilespmem:s26], [sflag:$0x2] =	stream.indirect_vreg.gather [hbm4b:s5+s3], $0x80, v3, vm0, $0xb8;
	[tilespmem:$0x14000] =	vst v63  }
0x47: {  	s2 =	simm.s32 $0x0;
	s17 =	simm.s32 $0x280;
	s23 =	simm.s32 $0xB000  }
0x48: {  	[tilespmem:s28], [sflag:$0x2] =	stream.indirect_vreg.gather [hbm4b:s6+s3], $0x80, v3, vm0, $0xb8;
	[tilespmem:$0x14000] =	vst v63  }
.LBB2_2:
0x49: {  	s15 =	simm.s32 $0x1  }
0x4a: {  	s8 =	simm.s32 $0x8000;
	_ =	swait.ge [sflag:s15], $0x3000  }
0x4b: {  	p0 =	seq.s32 s2, $0x0;
	[sflag:s15] =	ssyncset.done $0x0;
	s19 =	rddreg [dreg:$0x6]  }
0x4c: {  	s20 =	simm.s32 @!p0 $0x7;
	[sflag:s15] =	ssyncadd.s32 $0xFFFFD000;
	s19 =	sadd.s32 s2, s19  }
0x4d: {  	[hbm4b:s19+s3] =	stream.linear.scatter [tilespmem:s8], [sflag:$0x5], $0x3000, $0x38;
	[tilespmem:$0x14000] =	vst v63  }
0x4e: {  	_ =	swait.ge @!p0 [sflag:s20], $0x3000  }
0x4f: {  	[sflag:s20] =	ssyncset.done @!p0 $0x0  }
0x50: {  	[sflag:s20] =	ssyncadd.s32 @!p0 $0xFFFFD000  }
0x51: {  	v3 =	vld [tilespmem:s17+$0xFFFFFE80];
	_ =	sdelay $0x4  }
0x52: {  	v4 =	vshrl.u32 v3, $0x3  }
0x53: {  	v4 =	vmul.u32 $0x30, v4  }
0x54: {  	v3 =	vand.u32 $0x7, v3  }
0x55: {  	v3 =	vor.u32 v3, v4  }
0x56: {  	v4 =	vperm.xlane v3, v0;
	_ =	sdelay $0x1  }
0x57: {  	v4 =	vadd.s32 v1, v4;
	_ =	sdelay $0x3  }
0x58: {  	v3 =	vperm.xlane v3, v2  }
0x59: {  	[tilespmem:s31], [sflag:$0x3] =	stream.indirect_vreg.gather [hbm4b:s1+s3], $0x80, v4, vm0, $0xb8;
	[tilespmem:$0x14000] =	vst v63  }
0x5a: {  	s29 =	simm.s32 $0xE800;
	v3 =	vadd.s32 v1, v3  }
0x5b: {  	[tilespmem:s29], [sflag:$0x3] =	stream.indirect_vreg.gather [hbm4b:s5+s3], $0x80, v4, vm0, $0xb8;
	[tilespmem:$0x14000] =	vst v63  }
0x5c: {  	s24 =	simm.s32 $0xF000  }
0x5d: {  	[tilespmem:s24], [sflag:$0x3] =	stream.indirect_vreg.gather [hbm4b:s6+s3], $0x80, v4, vm0, $0xb8;
	[tilespmem:$0x14000] =	vst v63  }
0x5e: {  	s21 =	simm.s32 $0xF800  }
0x5f: {  	[tilespmem:s21], [sflag:$0x3] =	stream.indirect_vreg.gather [hbm4b:s1+s3], $0x80, v3, vm0, $0xb8;
	[tilespmem:$0x14000] =	vst v63  }
0x60: {  	s4 =	simm.s32 $0x10000  }
0x61: {  	[tilespmem:s4], [sflag:$0x3] =	stream.indirect_vreg.gather [hbm4b:s5+s3], $0x80, v3, vm0, $0xb8;
	[tilespmem:$0x14000] =	vst v63  }
0x62: {  	_ = 	snop  }
0x63: {  	[tilespmem:s7], [sflag:$0x3] =	stream.indirect_vreg.gather [hbm4b:s6+s3], $0x80, v3, vm0, $0xb8;
	[tilespmem:$0x14000] =	vst v63  }
0x64: {  	_ =	swait.ge [sflag:s11], $0x3000  }
0x65: {  	[sflag:s11] =	ssyncset.done $0x0  }
0x66: {  	s0 =	sadd.s32 $0x600, s19;
	s20 =	simm.s32 @!p0 $0x8;
	[sflag:s11] =	ssyncadd.s32 $0xFFFFD000  }
0x67: {  	[hbm4b:s0+s3] =	stream.linear.scatter [tilespmem:s23], [sflag:$0x6], $0x3000, $0x38;
	[tilespmem:$0x14000] =	vst v63  }
0x68: {  	_ =	swait.ge @!p0 [sflag:s20], $0x3000  }
0x69: {  	[sflag:s20] =	ssyncset.done @!p0 $0x0  }
0x6a: {  	[sflag:s20] =	ssyncadd.s32 @!p0 $0xFFFFD000  }
0x6b: {  	v3 =	vld [tilespmem:s17+$0xFFFFFF00];
	_ =	sdelay $0x4  }
0x6c: {  	v59 =	vshrl.u32 v3, $0x3  }
0x6d: {  	v4 =	vmul.u32 $0x30, v59  }
0x6e: {  	v3 =	vand.u32 $0x7, v3  }
0x6f: {  	v3 =	vor.u32 v3, v4  }
0x70: {  	v4 =	vperm.xlane v3, v0;
	_ =	sdelay $0x1  }
0x71: {  	v4 =	vadd.s32 v1, v4;
	_ =	sdelay $0x3  }
0x72: {  	v3 =	vperm.xlane v3, v2  }
0x73: {  	[tilespmem:s22], [sflag:$0x4] =	stream.indirect_vreg.gather [hbm4b:s1+s3], $0x80, v4, vm0, $0xb8;
	[tilespmem:$0x14000] =	vst v63  }
0x74: {  	v3 =	vadd.s32 v1, v3  }
0x75: {  	[tilespmem:s9], [sflag:$0x4] =	stream.indirect_vreg.gather [hbm4b:s5+s3], $0x80, v4, vm0, $0xb8;
	[tilespmem:$0x14000] =	vst v63  }
0x76: {  	_ = 	snop  }
0x77: {  	[tilespmem:s10], [sflag:$0x4] =	stream.indirect_vreg.gather [hbm4b:s6+s3], $0x80, v4, vm0, $0xb8;
	[tilespmem:$0x14000] =	vst v63  }
0x78: {  	_ = 	snop  }
0x79: {  	[tilespmem:s16], [sflag:$0x4] =	stream.indirect_vreg.gather [hbm4b:s1+s3], $0x80, v3, vm0, $0xb8;
	[tilespmem:$0x14000] =	vst v63  }
0x7a: {  	_ = 	snop  }
0x7b: {  	[tilespmem:s30], [sflag:$0x4] =	stream.indirect_vreg.gather [hbm4b:s5+s3], $0x80, v3, vm0, $0xb8;
	[tilespmem:$0x14000] =	vst v63  }
0x7c: {  	_ = 	snop  }
0x7d: {  	[tilespmem:s12], [sflag:$0x4] =	stream.indirect_vreg.gather [hbm4b:s6+s3], $0x80, v3, vm0, $0xb8;
	[tilespmem:$0x14000] =	vst v63  }
0x7e: {  	_ =	swait.ge [sflag:s13], $0x3000  }
0x7f: {  	[sflag:s13] =	ssyncset.done $0x0  }
0x80: {  	s0 =	sadd.s32 $0xC00, s19;
	[sflag:s13] =	ssyncadd.s32 $0xFFFFD000  }
0x81: {  	[hbm4b:s0+s3] =	stream.linear.scatter [tilespmem:s31], [sflag:$0x7], $0x3000, $0x38;
	[tilespmem:$0x14000] =	vst v63  }
0x82: {  	_ =	swait.ge [sflag:s14], $0x3000  }
0x83: {  	[sflag:s14] =	ssyncset.done $0x0  }
0x84: {  	[sflag:s14] =	ssyncadd.s32 $0xFFFFD000  }
0x85: {  	v3 =	vld [tilespmem:s17+$0xFFFFFF80];
	_ =	sdelay $0x4  }
0x86: {  	v60 =	vshrl.u32 v3, $0x3  }
0x87: {  	v4 =	vmul.u32 $0x30, v60  }
0x88: {  	v3 =	vand.u32 $0x7, v3  }
0x89: {  	v3 =	vor.u32 v3, v4  }
0x8a: {  	v4 =	vperm.xlane v3, v0;
	_ =	sdelay $0x1  }
0x8b: {  	v4 =	vadd.s32 v1, v4;
	_ =	sdelay $0x3  }
0x8c: {  	v3 =	vperm.xlane v3, v2  }
0x8d: {  	[tilespmem:s8], [sflag:$0x1] =	stream.indirect_vreg.gather [hbm4b:s1+s3], $0x80, v4, vm0, $0xb8;
	[tilespmem:$0x14000] =	vst v63  }
0x8e: {  	s0 =	simm.s32 $0x8800;
	v3 =	vadd.s32 v1, v3  }
0x8f: {  	[tilespmem:s0], [sflag:$0x1] =	stream.indirect_vreg.gather [hbm4b:s5+s3], $0x80, v4, vm0, $0xb8;
	[tilespmem:$0x14000] =	vst v63  }
0x90: {  	s0 =	simm.s32 $0x9000  }
0x91: {  	[tilespmem:s0], [sflag:$0x1] =	stream.indirect_vreg.gather [hbm4b:s6+s3], $0x80, v4, vm0, $0xb8;
	[tilespmem:$0x14000] =	vst v63  }
0x92: {  	s0 =	simm.s32 $0x9800  }
0x93: {  	[tilespmem:s0], [sflag:$0x1] =	stream.indirect_vreg.gather [hbm4b:s1+s3], $0x80, v3, vm0, $0xb8;
	[tilespmem:$0x14000] =	vst v63  }
0x94: {  	s0 =	simm.s32 $0xA000  }
0x95: {  	[tilespmem:s0], [sflag:$0x1] =	stream.indirect_vreg.gather [hbm4b:s5+s3], $0x80, v3, vm0, $0xb8;
	[tilespmem:$0x14000] =	vst v63  }
0x96: {  	s0 =	simm.s32 $0xA800  }
0x97: {  	[tilespmem:s0], [sflag:$0x1] =	stream.indirect_vreg.gather [hbm4b:s6+s3], $0x80, v3, vm0, $0xb8;
	[tilespmem:$0x14000] =	vst v63  }
0x98: {  	s0 =	simm.s32 $0x4  }
0x99: {  	_ =	swait.ge [sflag:s0], $0x3000  }
0x9a: {  	[sflag:s0] =	ssyncset.done $0x0  }
0x9b: {  	s20 =	sadd.s32 $0x1200, s19;
	[sflag:s0] =	ssyncadd.s32 $0xFFFFD000  }
0x9c: {  	[hbm4b:s20+s3] =	stream.linear.scatter [tilespmem:s22], [sflag:$0x8], $0x3000, $0x38;
	[tilespmem:$0x14000] =	vst v63  }
0x9d: {  	_ =	swait.ge [sflag:s18], $0x3000  }
0x9e: {  	[sflag:s18] =	ssyncset.done $0x0  }
0x9f: {  	[sflag:s18] =	ssyncadd.s32 $0xFFFFD000  }
0xa0: {  	v3 =	vld [tilespmem:s17+$0x0];
	_ =	sdelay $0x4  }
0xa1: {  	v61 =	vshrl.u32 v3, $0x3  }
0xa2: {  	v4 =	vmul.u32 $0x30, v61  }
0xa3: {  	v3 =	vand.u32 $0x7, v3  }
0xa4: {  	v3 =	vor.u32 v3, v4  }
0xa5: {  	v4 =	vperm.xlane v3, v0;
	_ =	sdelay $0x1  }
0xa6: {  	v4 =	vadd.s32 v1, v4;
	_ =	sdelay $0x3  }
0xa7: {  	v3 =	vperm.xlane v3, v2  }
0xa8: {  	[tilespmem:s23], [sflag:$0x2] =	stream.indirect_vreg.gather [hbm4b:s1+s3], $0x80, v4, vm0, $0xb8;
	[tilespmem:$0x14000] =	vst v63  }
0xa9: {  	s20 =	simm.s32 $0xB800;
	v3 =	vadd.s32 v1, v3  }
0xaa: {  	[tilespmem:s20], [sflag:$0x2] =	stream.indirect_vreg.gather [hbm4b:s5+s3], $0x80, v4, vm0, $0xb8;
	[tilespmem:$0x14000] =	vst v63  }
0xab: {  	s20 =	simm.s32 $0xC000  }
0xac: {  	[tilespmem:s20], [sflag:$0x2] =	stream.indirect_vreg.gather [hbm4b:s6+s3], $0x80, v4, vm0, $0xb8;
	[tilespmem:$0x14000] =	vst v63  }
0xad: {  	_ = 	snop  }
0xae: {  	[tilespmem:s25], [sflag:$0x2] =	stream.indirect_vreg.gather [hbm4b:s1+s3], $0x80, v3, vm0, $0xb8;
	[tilespmem:$0x14000] =	vst v63  }
0xaf: {  	_ = 	snop  }
0xb0: {  	[tilespmem:s26], [sflag:$0x2] =	stream.indirect_vreg.gather [hbm4b:s5+s3], $0x80, v3, vm0, $0xb8;
	[tilespmem:$0x14000] =	vst v63  }
0xb1: {  	_ = 	snop  }
0xb2: {  	[tilespmem:s28], [sflag:$0x2] =	stream.indirect_vreg.gather [hbm4b:s6+s3], $0x80, v3, vm0, $0xb8;
	[tilespmem:$0x14000] =	vst v63  }
0xb3: {  	_ =	swait.ge [sflag:s15], $0x3000  }
0xb4: {  	[sflag:s15] =	ssyncset.done $0x0  }
0xb5: {  	s20 =	simm.s32 $0x7;
	s26 =	sadd.s32 $0x1800, s19;
	[sflag:s15] =	ssyncadd.s32 $0xFFFFD000  }
0xb6: {  	[hbm4b:s26+s3] =	stream.linear.scatter [tilespmem:s8], [sflag:$0x5], $0x3000, $0x38;
	[tilespmem:$0x14000] =	vst v63  }
0xb7: {  	_ =	swait.ge [sflag:s20], $0x3000  }
0xb8: {  	[sflag:s20] =	ssyncset.done $0x0  }
0xb9: {  	[sflag:s20] =	ssyncadd.s32 $0xFFFFD000  }
0xba: {  	v3 =	vld [tilespmem:s17+$0x80];
	_ =	sdelay $0x4  }
0xbb: {  	v62 =	vshrl.u32 v3, $0x3  }
0xbc: {  	v4 =	vmul.u32 $0x30, v62  }
0xbd: {  	v3 =	vand.u32 $0x7, v3  }
0xbe: {  	v3 =	vor.u32 v3, v4  }
0xbf: {  	v4 =	vperm.xlane v3, v0;
	_ =	sdelay $0x1  }
0xc0: {  	v4 =	vadd.s32 v1, v4;
	_ =	sdelay $0x3  }
0xc1: {  	v3 =	vperm.xlane v3, v2  }
0xc2: {  	[tilespmem:s31], [sflag:$0x3] =	stream.indirect_vreg.gather [hbm4b:s1+s3], $0x80, v4, vm0, $0xb8;
	[tilespmem:$0x14000] =	vst v63  }
0xc3: {  	v3 =	vadd.s32 v1, v3  }
0xc4: {  	[tilespmem:s29], [sflag:$0x3] =	stream.indirect_vreg.gather [hbm4b:s5+s3], $0x80, v4, vm0, $0xb8;
	[tilespmem:$0x14000] =	vst v63  }
0xc5: {  	_ = 	snop  }
0xc6: {  	[tilespmem:s24], [sflag:$0x3] =	stream.indirect_vreg.gather [hbm4b:s6+s3], $0x80, v4, vm0, $0xb8;
	[tilespmem:$0x14000] =	vst v63  }
0xc7: {  	_ = 	snop  }
0xc8: {  	[tilespmem:s21], [sflag:$0x3] =	stream.indirect_vreg.gather [hbm4b:s1+s3], $0x80, v3, vm0, $0xb8;
	[tilespmem:$0x14000] =	vst v63  }
0xc9: {  	_ = 	snop  }
0xca: {  	[tilespmem:s4], [sflag:$0x3] =	stream.indirect_vreg.gather [hbm4b:s5+s3], $0x80, v3, vm0, $0xb8;
	[tilespmem:$0x14000] =	vst v63  }
0xcb: {  	_ = 	snop  }
0xcc: {  	[tilespmem:s7], [sflag:$0x3] =	stream.indirect_vreg.gather [hbm4b:s6+s3], $0x80, v3, vm0, $0xb8;
	[tilespmem:$0x14000] =	vst v63  }
0xcd: {  	_ =	swait.ge [sflag:s11], $0x3000  }
0xce: {  	[sflag:s11] =	ssyncset.done $0x0  }
0xcf: {  	s25 =	simm.s32 $0x8;
	s24 =	sadd.s32 $0x1E00, s19;
	[sflag:s11] =	ssyncadd.s32 $0xFFFFD000  }
0xd0: {  	[hbm4b:s24+s3] =	stream.linear.scatter [tilespmem:s23], [sflag:$0x6], $0x3000, $0x38;
	[tilespmem:$0x14000] =	vst v63  }
0xd1: {  	_ =	swait.ge [sflag:s25], $0x3000  }
0xd2: {  	[sflag:s25] =	ssyncset.done $0x0  }
0xd3: {  	[sflag:s25] =	ssyncadd.s32 $0xFFFFD000  }
0xd4: {  	v3 =	vld [tilespmem:s17+$0x100];
	_ =	sdelay $0x4  }
0xd5: {  	v63 =	vshrl.u32 v3, $0x3  }
0xd6: {  	v4 =	vmul.u32 $0x30, v63  }
0xd7: {  	v3 =	vand.u32 $0x7, v3  }
0xd8: {  	v3 =	vor.u32 v3, v4  }
0xd9: {  	v4 =	vperm.xlane v3, v0;
	_ =	sdelay $0x1  }
0xda: {  	v4 =	vadd.s32 v1, v4;
	_ =	sdelay $0x3  }
0xdb: {  	v3 =	vperm.xlane v3, v2  }
0xdc: {  	[tilespmem:s22], [sflag:$0x4] =	stream.indirect_vreg.gather [hbm4b:s1+s3], $0x80, v4, vm0, $0xb8;
	[tilespmem:$0x14000] =	vst v63  }
0xdd: {  	v3 =	vadd.s32 v1, v3  }
0xde: {  	[tilespmem:s9], [sflag:$0x4] =	stream.indirect_vreg.gather [hbm4b:s5+s3], $0x80, v4, vm0, $0xb8;
	[tilespmem:$0x14000] =	vst v63  }
0xdf: {  	_ = 	snop  }
0xe0: {  	[tilespmem:s10], [sflag:$0x4] =	stream.indirect_vreg.gather [hbm4b:s6+s3], $0x80, v4, vm0, $0xb8;
	[tilespmem:$0x14000] =	vst v63  }
0xe1: {  	_ = 	snop  }
0xe2: {  	[tilespmem:s16], [sflag:$0x4] =	stream.indirect_vreg.gather [hbm4b:s1+s3], $0x80, v3, vm0, $0xb8;
	[tilespmem:$0x14000] =	vst v63  }
0xe3: {  	_ = 	snop  }
0xe4: {  	[tilespmem:s30], [sflag:$0x4] =	stream.indirect_vreg.gather [hbm4b:s5+s3], $0x80, v3, vm0, $0xb8;
	[tilespmem:$0x14000] =	vst v63  }
0xe5: {  	_ = 	snop  }
0xe6: {  	[tilespmem:s12], [sflag:$0x4] =	stream.indirect_vreg.gather [hbm4b:s6+s3], $0x80, v3, vm0, $0xb8;
	[tilespmem:$0x14000] =	vst v63  }
0xe7: {  	_ =	swait.ge [sflag:s13], $0x3000  }
0xe8: {  	[sflag:s13] =	ssyncset.done $0x0  }
0xe9: {  	s26 =	sadd.s32 $0x2400, s19;
	[sflag:s13] =	ssyncadd.s32 $0xFFFFD000  }
0xea: {  	[hbm4b:s26+s3] =	stream.linear.scatter [tilespmem:s31], [sflag:$0x7], $0x3000, $0x38;
	[tilespmem:$0x14000] =	vst v63  }
0xeb: {  	_ =	swait.ge [sflag:s14], $0x3000  }
0xec: {  	[sflag:s14] =	ssyncset.done $0x0  }
0xed: {  	p0 =	seq.s32 s2, $0x5D000;
	[sflag:s14] =	ssyncadd.s32 $0xFFFFD000  }
0xee: {  	v3 =	vld @!p0 [tilespmem:s17+$0x180];
	_ =	sdelay $0x4  }
0xef: {  	v4 =	vshrl.u32 @!p0 v3, $0x3  }
0xf0: {  	v4 =	vmul.u32 @!p0 $0x30, v4  }
0xf1: {  	v5 =	vlaneseq.u32 @!p0;
	v3 =	vand.u32 @!p0 $0x7, v3  }
0xf2: {  	v6 =	vshrl.u32 @!p0 v5, $0x3;
	v3 =	vor.u32 @!p0 v3, v4;
	v4 =	vand.u32 @!p0 $0x7, v5  }
0xf3: {  	v6 =	vmul.u32 @!p0 $0x8, v6;
	v4 =	vperm.xlane @!p0 v3, v4;
	_ =	sdelay $0x1  }
0xf4: {  	v4 =	vadd.s32 @!p0 v6, v4;
	_ =	sdelay $0x2  }
0xf5: {  	v5 =	vor.u32 @!p0 $0x8, v5  }
0xf6: {  	vm1 =	vmmov @!p0 $0xffff;
	s20 =	simm.s32 @!p0 $0x0;
	s21 =	simm.s32 @!p0 $0x8000;
	v3 =	vperm.xlane @!p0 v3, v5  }
0xf7: {  	[tilespmem:s21], [sflag:$0x1] =	stream.indirect_vreg.gather @!p0 [hbm4b:s1+s20], $0x80, v4, vm1, $0xb8;
	[tilespmem:$0x14000] =	vst v63  }
0xf8: {  	v3 =	vadd.s32 @!p0 v6, v3;
	s21 =	simm.s32 @!p0 $0x8800  }
0xf9: {  	[tilespmem:s21], [sflag:$0x1] =	stream.indirect_vreg.gather @!p0 [hbm4b:s5+s20], $0x80, v4, vm1, $0xb8;
	[tilespmem:$0x14000] =	vst v63  }
0xfa: {  	s21 =	simm.s32 @!p0 $0x9000  }
0xfb: {  	[tilespmem:s21], [sflag:$0x1] =	stream.indirect_vreg.gather @!p0 [hbm4b:s6+s20], $0x80, v4, vm1, $0xb8;
	[tilespmem:$0x14000] =	vst v63  }
0xfc: {  	s21 =	simm.s32 @!p0 $0x9800  }
0xfd: {  	[tilespmem:s21], [sflag:$0x1] =	stream.indirect_vreg.gather @!p0 [hbm4b:s1+s20], $0x80, v3, vm1, $0xb8;
	[tilespmem:$0x14000] =	vst v63  }
0xfe: {  	s21 =	simm.s32 @!p0 $0xA000  }
0xff: {  	[tilespmem:s21], [sflag:$0x1] =	stream.indirect_vreg.gather @!p0 [hbm4b:s5+s20], $0x80, v3, vm1, $0xb8;
	[tilespmem:$0x14000] =	vst v63  }
0x100: {  	s21 =	simm.s32 @!p0 $0xA800  }
0x101: {  	[tilespmem:s21], [sflag:$0x1] =	stream.indirect_vreg.gather @!p0 [hbm4b:s6+s20], $0x80, v3, vm1, $0xb8;
	[tilespmem:$0x14000] =	vst v63  }
0x102: {  	_ =	swait.ge [sflag:s0], $0x3000  }
0x103: {  	s28 =	simm.s32 $0xD000;
	[sflag:s0] =	ssyncset.done $0x0  }
.Ltmp2:
0x104: {  	s19 =	sadd.s32 $0x2A00, s19;
	[sflag:s0] =	ssyncadd.s32 $0xFFFFD000;
	(pc) =	sbr.rel @p0 .LBB2_4-.Ltmp2, $4  }
0x105: {  	[hbm4b:s19+s3] =	stream.linear.scatter [tilespmem:s22], [sflag:$0x8], $0x3000, $0x38;
	[tilespmem:$0x14000] =	vst v63  }
0x106: {  	s15 =	simm.s32 $0x8000;
	s29 =	simm.s32 $0xD800;
	_ =	swait.ge [sflag:s18], $0x3000  }
0x107: {  	s24 =	simm.s32 $0xB800;
	s25 =	simm.s32 $0xC000;
	[sflag:s18] =	ssyncset.done $0x0  }
0x108: {  	s26 =	simm.s32 $0xC800;
	s0 =	simm.s32 $0xB000;
	[sflag:s18] =	ssyncadd.s32 $0xFFFFD000  }
0x109: {  	v3 =	vld [tilespmem:s17+$0x200];
	_ =	sdelay $0x4  }
0x10a: {  	v4 =	vshrl.u32 v3, $0x3  }
0x10b: {  	v4 =	vmul.u32 $0x30, v4  }
0x10c: {  	v3 =	vand.u32 $0x7, v3  }
0x10d: {  	v3 =	vor.u32 v3, v4  }
0x10e: {  	v4 =	vperm.xlane v3, v0;
	_ =	sdelay $0x1  }
0x10f: {  	v4 =	vadd.s32 v1, v4;
	_ =	sdelay $0x3  }
0x110: {  	v3 =	vperm.xlane v3, v2  }
0x111: {  	[tilespmem:s0], [sflag:$0x2] =	stream.indirect_vreg.gather [hbm4b:s1+s3], $0x80, v4, vm0, $0xb8;
	[tilespmem:$0x14000] =	vst v63  }
0x112: {  	v3 =	vadd.s32 v1, v3  }
0x113: {  	[tilespmem:s24], [sflag:$0x2] =	stream.indirect_vreg.gather [hbm4b:s5+s3], $0x80, v4, vm0, $0xb8;
	[tilespmem:$0x14000] =	vst v63  }
0x114: {  	_ = 	snop  }
0x115: {  	[tilespmem:s25], [sflag:$0x2] =	stream.indirect_vreg.gather [hbm4b:s6+s3], $0x80, v4, vm0, $0xb8;
	[tilespmem:$0x14000] =	vst v63  }
0x116: {  	_ = 	snop  }
0x117: {  	[tilespmem:s26], [sflag:$0x2] =	stream.indirect_vreg.gather [hbm4b:s1+s3], $0x80, v3, vm0, $0xb8;
	[tilespmem:$0x14000] =	vst v63  }
.Ltmp3:
0x118: {  	_ = 	snop;
	(pc) =	sbr.rel .LBB2_2-.Ltmp3, $4  }
0x119: {  	s2 =	sadd.s32 $0x3000, s2;
	s17 =	sadd.s32 $0x400, s17;
	s23 =	simm.s32 $0xB000  }
0x11a: {  	[tilespmem:s28], [sflag:$0x2] =	stream.indirect_vreg.gather [hbm4b:s5+s3], $0x80, v3, vm0, $0xb8;
	[tilespmem:$0x14000] =	vst v63  }
0x11b: {  	s25 =	simm.s32 $0xC800;
	s26 =	simm.s32 $0xD000;
	s28 =	simm.s32 $0xD800  }
0x11c: {  	[tilespmem:s29], [sflag:$0x2] =	stream.indirect_vreg.gather [hbm4b:s6+s3], $0x80, v3, vm0, $0xb8;
	[tilespmem:$0x14000] =	vst v63  }
.LBB2_5:
0x11d: {  	_ =	sfence.sel $0x180000  }
0x11e: {  	[bflag:$0x0] =	sbarrier.arrive $0xFFFF  }
0x11f: {  	_ =	strace $0x90000047  }
0x120: {  	s0 =	stileid.u32;
	[bflag:$0x2] =	sbarrier.arrive $0xFFFF  }
0x121: {  	p0 =	sne.s32 s0, $0x0;
	s0 =	rddreg [dreg:$0x3]  }
0x122: {  	s0 =	sadd.s32 @!p0 $0x100000, s0  }
0x123: {  	[sflag:s0] =	ssyncadd.tile.s32 @!p0 $0x1;
	_ =	shalt  }
.Lfunc_end2:
_tile_overlayer_lowered:
.L_overlay_start_2:
0x124: {  	(tag) =	ssettag $0x2  }
0x125: {  	s0 =	rddreg [dreg:$0x0];
	s2 =	stileid.u32  }
0x126: {  	s1 =	rddreg [dreg:$0x1];
	p0 =	sne.s32 s2, $0x0  }
0x127: {  	s3 =	rddreg [dreg:$0x2];
	[bflag:$0x3] =	sbarrier.arrive $0xFFFF;
	s2 =	simm.s32 @!p0 $0x1C09  }
0x128: {  	[timem:s3], [sflag:s2] =	dma.local @!p0 [hbm:s0], s1  }
0x129: {  	s0 =	simm.s32 @!p0 $0x9  }
0x12a: {  	_ =	swait.ge @!p0 [sflag:s0], s1  }
0x12b: {  	s1 =	ssub.s32 @!p0 $0x0, s1;
	[sflag:s0] =	ssyncset.done @!p0 $0x0  }
0x12c: {  	[sflag:s0] =	ssyncadd.s32 @!p0 s1  }
0x12d: {  	[bflag:$0x3] =	sbarrier.arrive $0xFFFF  }
0x12e: {  	_ =	shalt  }

</sc_bundles>
